<compile_context>
chip_gen: v7x
topology: tpu7x:2x2x1
jax: 0.10.2.dev20260603
libtpu: 0.0.44.dev20260713+nightly
codegen_flags: <defaults>
</compile_context>

<pallas_src>
import functools

import jax
import jax.numpy as jnp
from jax import lax
from jax.experimental import pallas as pl
from jax.experimental.pallas import tpu as pltpu
from jax.experimental.pallas import tpu_sc as plsc

N = 10000
E = 320000
IN_FEAT = 128
HID = 32
C = 4
D = HID * C
OUT_FEAT = 128
BETA = 0.1

NC = 2
NS = 16
NW = NC * NS
EPW = E // NW

NPAD = 10240
ZROWS = NPAD // NS

GCH = 1000
NGCH = EPW // GCH
SCH = 200
NSCH = EPW // SCH

RB = 2000
EB = 8000

_f32 = jnp.float32



def _mlp_in_body(x_ref, w1_ref, b1_ref, g_ref, be_ref, wl_ref, h_ref, z_ref):
    h = jnp.dot(x_ref[...], w1_ref[...], preferred_element_type=_f32)
    h = jnp.maximum(h + b1_ref[...], 0.0)
    mu = jnp.mean(h, axis=1, keepdims=True)
    var = jnp.mean((h - mu) * (h - mu), axis=1, keepdims=True)
    h = (h - mu) * lax.rsqrt(var + 1e-5) * g_ref[...] + be_ref[...]
    h_ref[...] = h
    z_ref[...] = jnp.dot(h, wl_ref[...], preferred_element_type=_f32)


def _mlp_in(x, w1, b1, g, be, wl):
    grid = N // RB
    return pl.pallas_call(
        _mlp_in_body,
        grid=(grid,),
        in_specs=[
            pl.BlockSpec((RB, IN_FEAT), lambda i: (i, 0)),
            pl.BlockSpec((IN_FEAT, D), lambda i: (0, 0)),
            pl.BlockSpec((1, D), lambda i: (0, 0)),
            pl.BlockSpec((1, D), lambda i: (0, 0)),
            pl.BlockSpec((1, D), lambda i: (0, 0)),
            pl.BlockSpec((D, HID), lambda i: (0, 0)),
        ],
        out_specs=[
            pl.BlockSpec((RB, D), lambda i: (i, 0)),
            pl.BlockSpec((RB, HID), lambda i: (i, 0)),
        ],
        out_shape=[
            jax.ShapeDtypeStruct((N, D), _f32),
            jax.ShapeDtypeStruct((N, HID), _f32),
        ],
    )(x, w1, b1, g, be, wl)


def _edge_body(zr_ref, zc_ref, wa_ref, p_ref, t_ref, j_ref, xj_ref):
    zr = zr_ref[...]
    zc = zc_ref[...]
    b = jnp.maximum(0.5 * zr + zc, 0.0)
    e = jnp.exp(jnp.dot(b, wa_ref[...], preferred_element_type=_f32))
    num = jnp.dot(e, p_ref[...], preferred_element_type=_f32)
    den = jnp.dot(e, j_ref[...], preferred_element_type=_f32)
    zc4 = jnp.dot(zc, t_ref[...], preferred_element_type=_f32)
    xj_ref[...] = num * zc4 / den


def _edge(zr, zc, wa_pad, p_expand, t_tile, j_ones):
    grid = E // EB
    return pl.pallas_call(
        _edge_body,
        grid=(grid,),
        in_specs=[
            pl.BlockSpec((EB, HID), lambda i: (i, 0)),
            pl.BlockSpec((EB, HID), lambda i: (i, 0)),
            pl.BlockSpec((HID, D), lambda i: (0, 0)),
            pl.BlockSpec((D, D), lambda i: (0, 0)),
            pl.BlockSpec((HID, D), lambda i: (0, 0)),
            pl.BlockSpec((D, D), lambda i: (0, 0)),
        ],
        out_specs=pl.BlockSpec((EB, D), lambda i: (i, 0)),
        out_shape=jax.ShapeDtypeStruct((E, D), _f32),
    )(zr, zc, wa_pad, p_expand, t_tile, j_ones)


def _post_mid_body(o_ref, ego_ref, g_ref, be_ref, wl_ref, z_ref):
    t = jnp.maximum(o_ref[0] + o_ref[1], 0.0)
    mu = jnp.mean(t, axis=1, keepdims=True)
    var = jnp.mean((t - mu) * (t - mu), axis=1, keepdims=True)
    t = (t - mu) * lax.rsqrt(var + 1e-5) * g_ref[...] + be_ref[...]
    h = (1.0 - BETA) * t + BETA * ego_ref[...]
    z_ref[...] = jnp.dot(h, wl_ref[...], preferred_element_type=_f32)


def _post_mid(out2, ego, g, be, wl):
    grid = N // RB
    return pl.pallas_call(
        _post_mid_body,
        grid=(grid,),
        in_specs=[
            pl.BlockSpec((2, RB, D), lambda i: (0, i, 0)),
            pl.BlockSpec((RB, D), lambda i: (i, 0)),
            pl.BlockSpec((1, D), lambda i: (0, 0)),
            pl.BlockSpec((1, D), lambda i: (0, 0)),
            pl.BlockSpec((D, HID), lambda i: (0, 0)),
        ],
        out_specs=pl.BlockSpec((RB, HID), lambda i: (i, 0)),
        out_shape=jax.ShapeDtypeStruct((N, HID), _f32),
    )(out2, ego, g, be, wl)


def _post_final_body(o_ref, ego_ref, g_ref, be_ref, w2_ref, b2_ref, y_ref):
    t = jnp.maximum(o_ref[0] + o_ref[1], 0.0)
    mu = jnp.mean(t, axis=1, keepdims=True)
    var = jnp.mean((t - mu) * (t - mu), axis=1, keepdims=True)
    t = (t - mu) * lax.rsqrt(var + 1e-5) * g_ref[...] + be_ref[...]
    h = (1.0 - BETA) * t + BETA * ego_ref[...]
    y_ref[...] = jnp.dot(h, w2_ref[...], preferred_element_type=_f32) + b2_ref[...]


def _post_final(out2, ego, g, be, w2, b2):
    grid = N // RB
    return pl.pallas_call(
        _post_final_body,
        grid=(grid,),
        in_specs=[
            pl.BlockSpec((2, RB, D), lambda i: (0, i, 0)),
            pl.BlockSpec((RB, D), lambda i: (i, 0)),
            pl.BlockSpec((1, D), lambda i: (0, 0)),
            pl.BlockSpec((1, D), lambda i: (0, 0)),
            pl.BlockSpec((D, OUT_FEAT), lambda i: (0, 0)),
            pl.BlockSpec((1, OUT_FEAT), lambda i: (0, 0)),
        ],
        out_specs=pl.BlockSpec((RB, OUT_FEAT), lambda i: (i, 0)),
        out_shape=jax.ShapeDtypeStruct((N, OUT_FEAT), _f32),
    )(out2, ego, g, be, w2, b2)



_sc_mesh = plsc.VectorSubcoreMesh(core_axis_name="c", subcore_axis_name="s")


@functools.partial(
    pl.kernel,
    out_type=(
        jax.ShapeDtypeStruct((E, HID), _f32),
        jax.ShapeDtypeStruct((E, HID), _f32),
    ),
    mesh=_sc_mesh,
    scratch_types=[
        pltpu.VMEM((GCH,), jnp.int32),
        pltpu.VMEM((GCH,), jnp.int32),
        pltpu.VMEM((GCH, HID), _f32),
        pltpu.VMEM((GCH, HID), _f32),
        pltpu.SemaphoreType.DMA,
        pltpu.SemaphoreType.DMA,
    ],
    compiler_params=pltpu.CompilerParams(use_tc_tiling_on_sc=False),
)
def _sc_gather(z_hbm, row_hbm, col_hbm, zr_hbm, zc_hbm,
               ri_v, ci_v, zr_v, zc_v, sem_r, sem_c):
    wid = lax.axis_index("s") * NC + lax.axis_index("c")

    def body(j, carry):
        base = wid * EPW + j * GCH
        pltpu.sync_copy(row_hbm.at[pl.ds(base, GCH)], ri_v)
        pltpu.sync_copy(col_hbm.at[pl.ds(base, GCH)], ci_v)
        cp_r = pltpu.async_copy(z_hbm.at[ri_v], zr_v, sem_r)
        cp_c = pltpu.async_copy(z_hbm.at[ci_v], zc_v, sem_c)
        cp_r.wait()
        cp_c.wait()
        pltpu.sync_copy(zr_v, zr_hbm.at[pl.ds(base, GCH)])
        pltpu.sync_copy(zc_v, zc_hbm.at[pl.ds(base, GCH)])
        return carry

    lax.fori_loop(0, NGCH, body, 0)


@functools.partial(
    pl.kernel,
    out_type=jax.ShapeDtypeStruct((NC, NPAD, D), _f32),
    mesh=_sc_mesh,
    scratch_types=[
        pltpu.VMEM_SHARED((NPAD, D), _f32),
        pltpu.VMEM((SCH,), jnp.int32),
        pltpu.VMEM((SCH, D), _f32),
    ],
    compiler_params=pltpu.CompilerParams(use_tc_tiling_on_sc=False),
)
def _sc_scatter(xj_hbm, seg_hbm, zero_hbm, out_hbm, acc_sh, seg_v, xj_v):
    cid = lax.axis_index("c")
    sid = lax.axis_index("s")
    wid = sid * NC + cid
    pltpu.sync_copy(zero_hbm, acc_sh.at[pl.ds(sid * ZROWS, ZROWS)])
    plsc.subcore_barrier()

    def body(j, carry):
        base = wid * EPW + j * SCH
        pltpu.sync_copy(seg_hbm.at[pl.ds(base, SCH)], seg_v)
        pltpu.sync_copy(xj_hbm.at[pl.ds(base, SCH)], xj_v)
        pltpu.sync_copy(xj_v, acc_sh.at[seg_v], add=True)
        return carry

    lax.fori_loop(0, NSCH, body, 0)
    plsc.subcore_barrier()
    pltpu.sync_copy(acc_sh.at[pl.ds(sid * ZROWS, ZROWS)],
                    out_hbm.at[cid, pl.ds(sid * ZROWS, ZROWS)])



def kernel(x, edge_index, W1, b1, g0, be0, Wl0, Wa0, g1, be1, Wl1, Wa1,
           g2, be2, W2, b2):
    row = edge_index[0]
    col = edge_index[1]
    seg = jnp.where(row == col, jnp.int32(N), row)
    zero = jnp.zeros((ZROWS, D), _f32)
    wa0_pad = jnp.pad(Wa0, ((0, 0), (0, D - C)))
    wa1_pad = jnp.pad(Wa1, ((0, 0), (0, D - C)))
    p_expand = (jnp.arange(D)[:, None] == (jnp.arange(D)[None, :] // HID)
                ).astype(_f32)
    t_tile = (jnp.arange(HID)[:, None] == (jnp.arange(D)[None, :] % HID)
              ).astype(_f32)
    j_ones = jnp.broadcast_to((jnp.arange(D) < C).astype(_f32)[:, None], (D, D))

    h, z = _mlp_in(x, W1, b1.reshape(1, D), g0.reshape(1, D),
                   be0.reshape(1, D), Wl0)
    ego = h

    zr, zc = _sc_gather(z, row, col)
    xj = _edge(zr, zc, wa0_pad, p_expand, t_tile, j_ones)
    out2 = _sc_scatter(xj, seg, zero)
    z = _post_mid(out2, ego, g1.reshape(1, D), be1.reshape(1, D), Wl1)

    zr, zc = _sc_gather(z, row, col)
    xj = _edge(zr, zc, wa1_pad, p_expand, t_tile, j_ones)
    out2 = _sc_scatter(xj, seg, zero)
    return _post_final(out2, ego, g2.reshape(1, D), be2.reshape(1, D), W2,
                       b2.reshape(1, OUT_FEAT))

# --- scband reference (transcript-rebuilt; emitter-appended) ---
"""Pipeline reference for scband-m2-mgnn-74741020885246 (READ-ONLY COPY).

The authoritative reference and input builder live on the scoring server;
editing this copy changes nothing except your own understanding.
"""

import jax, jax.numpy as jnp
import numpy as np

N = 10000
E = 320000
IN_FEAT = 128
HID = 32
C = 4
D = HID * C
OUT_FEAT = 128
NUM_LAYERS = 2
BETA = 0.1
TEMP = 1.0


def _ln(h, g, b):
    mu = jnp.mean(h, axis=-1, keepdims=True)
    var = jnp.var(h, axis=-1, keepdims=True)
    return (h - mu) / jnp.sqrt(var + 1e-5) * g + b


def setup_inputs(seed: int = 0):
    key = jax.random.key(seed)
    ks = jax.random.split(key, 20)
    x = jax.random.normal(ks[0], (N, IN_FEAT), dtype=jnp.float32)
    edge_index = jax.random.randint(ks[1], (2, E), 0, N).astype(jnp.int32)
    W1 = jax.random.normal(ks[2], (IN_FEAT, D), dtype=jnp.float32) / jnp.sqrt(IN_FEAT)
    b1 = jnp.zeros((D,), dtype=jnp.float32)
    g0 = jnp.ones((D,), dtype=jnp.float32)
    be0 = jnp.zeros((D,), dtype=jnp.float32)
    Wl0 = jax.random.normal(ks[3], (D, HID), dtype=jnp.float32) / jnp.sqrt(D)
    Wa0 = jax.random.normal(ks[4], (HID, C), dtype=jnp.float32) / jnp.sqrt(HID)
    g1 = jnp.ones((D,), dtype=jnp.float32)
    be1 = jnp.zeros((D,), dtype=jnp.float32)
    Wl1 = jax.random.normal(ks[5], (D, HID), dtype=jnp.float32) / jnp.sqrt(D)
    Wa1 = jax.random.normal(ks[6], (HID, C), dtype=jnp.float32) / jnp.sqrt(HID)
    g2 = jnp.ones((D,), dtype=jnp.float32)
    be2 = jnp.zeros((D,), dtype=jnp.float32)
    W2 = jax.random.normal(ks[7], (D, OUT_FEAT), dtype=jnp.float32) / jnp.sqrt(D)
    b2 = jnp.zeros((OUT_FEAT,), dtype=jnp.float32)
    return {"x": x, "edge_index": edge_index, "W1": W1, "b1": b1, "g0": g0, "be0": be0,
            "Wl0": Wl0, "Wa0": Wa0, "g1": g1, "be1": be1, "Wl1": Wl1, "Wa1": Wa1,
            "g2": g2, "be2": be2, "W2": W2, "b2": b2}


def reference(x, edge_index, W1, b1, g0, be0, Wl0, Wa0, g1, be1, Wl1, Wa1, g2, be2, W2, b2):
    row = edge_index[0]
    col = edge_index[1]
    mask = row != col  # remove_self_loops
    n = x.shape[0]
    seg = jnp.where(mask, row, n)  # self-loop edges scatter out of range and are dropped
    # dropout layers are no-ops in eval mode
    h = jax.nn.relu(x @ W1 + b1)
    h = _ln(h, g0, be0)
    ego = h
    convs = [(Wl0, Wa0, g1, be1), (Wl1, Wa1, g2, be2)]
    for (Wl, Wa, g, be) in convs:
        # M2M2_layer forward
        z = h @ Wl  # [N, HID]
        bin_rela = jax.nn.relu(0.5 * z[row] + z[col])  # [E, HID]
        att = jax.nn.softmax((bin_rela @ Wa) / TEMP, axis=1)  # [E, C]
        # torch.cat([z[col] * att[:, i:i+1] for i in range(C)], dim=1)
        x_j = (att[:, :, None] * z[col][:, None, :]).reshape(att.shape[0], C * HID)
        out = jax.ops.segment_sum(x_j, seg, num_segments=n)  # scatter-add over row
        h = jax.nn.relu(out)
        h = _ln(h, g, be)
        h = (1.0 - BETA) * h + BETA * ego
    return h @ W2 + b2

if __name__ == "__main__":
    import jax
    _d = setup_inputs()
    print(jax.jit(kernel)(*tuple(_d.values())))

</pallas_src>

<mosaic_0001>
#map = affine_map<(d0, d1) -> (0, 0)>
#map1 = affine_map<(d0, d1) -> (0)>
#map2 = affine_map<(d0, d1) -> (0, 0, 0)>
module attributes {stable_mosaic.version = 14 : i64} {
  func.func @_sc_scatter(%arg0: i32, %arg1: i32, %arg2: memref<320000x128xf32, #tpu.memory_space<hbm>>, %arg3: memref<320000xi32, #tpu.memory_space<hbm>>, %arg4: memref<640x128xf32, #tpu.memory_space<hbm>>, %arg5: memref<2x10240x128xf32, #tpu.memory_space<hbm>>, %arg6: memref<10240x128xf32, #tpu.memory_space<vmem_shared>>, %arg7: memref<200xi32, #tpu.memory_space<vmem>>, %arg8: memref<200x128xf32, #tpu.memory_space<vmem>>) attributes {dimension_semantics = [#tpu.dimension_semantics<core_parallel>, #tpu.dimension_semantics<subcore_parallel>], iteration_bounds = array<i64: 2, 16>, scalar_prefetch = 0 : i64, scratch_operands = 3 : i64, tpu.core_type = #tpu.core_type<sc_vector_subcore>, window_params = [{transform_indices = #map}, {transform_indices = #map1}, {transform_indices = #map}, {transform_indices = #map2}]} {
    %mul3A = arith.constant 2 : i32
    %mul3A_0 = arith.muli %arg1, %mul3A : i32
    %add3A = arith.addi %mul3A_0, %arg0 : i32
    %mul3A_1 = arith.constant 640 : i32
    %mul3A_2 = arith.muli %arg1, %mul3A_1 : i32
    "tpu.region"() ({
      %run_scoped3A = tpu.sem_alloc : memref<!tpu.dma_semaphore, #tpu.memory_space<semaphore_mem>>
      %dma_start3A = arith.constant 0 : i32
      %dma_start3A_13 = tpu.memref_slice %arg6[%mul3A_2, %dma_start3A] : memref<10240x128xf32, #tpu.memory_space<vmem_shared>> -> memref<640x128xf32, #tpu.memory_space<vmem_shared>>
      tpu.enqueue_dma source(%arg4 : memref<640x128xf32, #tpu.memory_space<hbm>>) target(%dma_start3A_13 : memref<640x128xf32, #tpu.memory_space<vmem_shared>>) target_semaphore(%run_scoped3A : memref<!tpu.dma_semaphore, #tpu.memory_space<semaphore_mem>>)
      %dma_wait3A = arith.constant 0 : i32
      %dma_wait3A_14 = tpu.memref_slice %arg6[%mul3A_2, %dma_wait3A] : memref<10240x128xf32, #tpu.memory_space<vmem_shared>> -> memref<640x128xf32, #tpu.memory_space<vmem_shared>>
      tpu.wait_dma2 semaphore(%run_scoped3A : memref<!tpu.dma_semaphore, #tpu.memory_space<semaphore_mem>>) src(%arg4 : memref<640x128xf32, #tpu.memory_space<hbm>>) dst(%dma_wait3A_14 : memref<640x128xf32, #tpu.memory_space<vmem_shared>>)
      tpu.yield
    }) : () -> ()
    %barrier3A = arith.constant 0 : index
    tpu.barrier barrier_id(%barrier3A)
    %scan3A = arith.constant 0 : i32
    %scan3A_3 = arith.constant 0 : i32
    %scan3A_4 = arith.constant 50 : i32
    %scan3A_5 = arith.addi %scan3A_3, %scan3A_4 : i32
    %scan3A_6 = arith.constant 1 : i32
    scf.for %scan3A_13 = %scan3A_3 to %scan3A_5 step %scan3A_6  : i32 {
      %mul3A_14 = arith.constant 10000 : i32
      %mul3A_15 = arith.muli %add3A, %mul3A_14 : i32
      %mul3A_16 = arith.constant 200 : i32
      %mul3A_17 = arith.muli %scan3A_13, %mul3A_16 : i32
      %add3A_18 = arith.addi %mul3A_15, %mul3A_17 : i32
      "tpu.region"() ({
        %run_scoped3A = tpu.sem_alloc : memref<!tpu.dma_semaphore, #tpu.memory_space<semaphore_mem>>
        %dma_start3A = tpu.memref_slice %arg3[%add3A_18] : memref<320000xi32, #tpu.memory_space<hbm>> -> memref<200xi32, #tpu.memory_space<hbm>>
        %dma_start3A_19 = tpu.memref_slice %arg3[%add3A_18] : memref<320000xi32, #tpu.memory_space<hbm>> -> memref<200xi32, #tpu.memory_space<hbm>>
        tpu.enqueue_dma source(%dma_start3A_19 : memref<200xi32, #tpu.memory_space<hbm>>) target(%arg7 : memref<200xi32, #tpu.memory_space<vmem>>) target_semaphore(%run_scoped3A : memref<!tpu.dma_semaphore, #tpu.memory_space<semaphore_mem>>)
        %dma_wait3A = tpu.memref_slice %arg3[%add3A_18] : memref<320000xi32, #tpu.memory_space<hbm>> -> memref<200xi32, #tpu.memory_space<hbm>>
        %dma_wait3A_20 = tpu.memref_slice %arg3[%add3A_18] : memref<320000xi32, #tpu.memory_space<hbm>> -> memref<200xi32, #tpu.memory_space<hbm>>
        tpu.wait_dma2 semaphore(%run_scoped3A : memref<!tpu.dma_semaphore, #tpu.memory_space<semaphore_mem>>) src(%dma_wait3A_20 : memref<200xi32, #tpu.memory_space<hbm>>) dst(%arg7 : memref<200xi32, #tpu.memory_space<vmem>>)
        tpu.yield
      }) : () -> ()
      "tpu.region"() ({
        %run_scoped3A = tpu.sem_alloc : memref<!tpu.dma_semaphore, #tpu.memory_space<semaphore_mem>>
        %dma_start3A = arith.constant 0 : i32
        %dma_start3A_19 = tpu.memref_slice %arg2[%add3A_18, %dma_start3A] : memref<320000x128xf32, #tpu.memory_space<hbm>> -> memref<200x128xf32, #tpu.memory_space<hbm>>
        %dma_start3A_20 = arith.constant 0 : i32
        %dma_start3A_21 = tpu.memref_slice %arg2[%add3A_18, %dma_start3A_20] : memref<320000x128xf32, #tpu.memory_space<hbm>> -> memref<200x128xf32, #tpu.memory_space<hbm>>
        tpu.enqueue_dma source(%dma_start3A_21 : memref<200x128xf32, #tpu.memory_space<hbm>>) target(%arg8 : memref<200x128xf32, #tpu.memory_space<vmem>>) target_semaphore(%run_scoped3A : memref<!tpu.dma_semaphore, #tpu.memory_space<semaphore_mem>>)
        %dma_wait3A = arith.constant 0 : i32
        %dma_wait3A_22 = tpu.memref_slice %arg2[%add3A_18, %dma_wait3A] : memref<320000x128xf32, #tpu.memory_space<hbm>> -> memref<200x128xf32, #tpu.memory_space<hbm>>
        %dma_wait3A_23 = arith.constant 0 : i32
        %dma_wait3A_24 = tpu.memref_slice %arg2[%add3A_18, %dma_wait3A_23] : memref<320000x128xf32, #tpu.memory_space<hbm>> -> memref<200x128xf32, #tpu.memory_space<hbm>>
        tpu.wait_dma2 semaphore(%run_scoped3A : memref<!tpu.dma_semaphore, #tpu.memory_space<semaphore_mem>>) src(%dma_wait3A_24 : memref<200x128xf32, #tpu.memory_space<hbm>>) dst(%arg8 : memref<200x128xf32, #tpu.memory_space<vmem>>)
        tpu.yield
      }) : () -> ()
      "tpu.region"() ({
        %run_scoped3A = tpu.sem_alloc : memref<!tpu.dma_semaphore, #tpu.memory_space<semaphore_mem>>
        %dma_start3A = arith.constant 0 : i32
        %dma_start3A_19 = arith.constant 0 : i32
        %dma_start3A_20 = tpu.memref_slice %arg6[%dma_start3A, %dma_start3A_19] : memref<10240x128xf32, #tpu.memory_space<vmem_shared>> -> memref<10240x128xf32, #tpu.memory_space<vmem_shared>>
        tpu.enqueue_indirect_dma source(%arg8 : memref<200x128xf32, #tpu.memory_space<vmem>>) target(%dma_start3A_20 : memref<10240x128xf32, #tpu.memory_space<vmem_shared>>) offsets(%arg7 : memref<200xi32, #tpu.memory_space<vmem>>) semaphore(%run_scoped3A : memref<!tpu.dma_semaphore, #tpu.memory_space<semaphore_mem>>) {add = true}
        %dma_wait3A = arith.constant 0 : i32
        %dma_wait3A_21 = arith.constant 0 : i32
        %dma_wait3A_22 = tpu.memref_slice %arg6[%dma_wait3A, %dma_wait3A_21] : memref<10240x128xf32, #tpu.memory_space<vmem_shared>> -> memref<10240x128xf32, #tpu.memory_space<vmem_shared>>
        tpu.wait_indirect_dma semaphore(%run_scoped3A : memref<!tpu.dma_semaphore, #tpu.memory_space<semaphore_mem>>) src(%arg8 : memref<200x128xf32, #tpu.memory_space<vmem>>) dst(%dma_wait3A_22 : memref<10240x128xf32, #tpu.memory_space<vmem_shared>>)
        tpu.yield
      }) : () -> ()
    }
    %scan3A_7 = arith.constant 50 : i32
    %barrier3A_8 = arith.constant 0 : index
    tpu.barrier barrier_id(%barrier3A_8)
    %mul3A_9 = arith.constant 640 : i32
    %mul3A_10 = arith.muli %arg1, %mul3A_9 : i32
    %mul3A_11 = arith.constant 640 : i32
    %mul3A_12 = arith.muli %arg1, %mul3A_11 : i32
    "tpu.region"() ({
      %run_scoped3A = tpu.sem_alloc : memref<!tpu.dma_semaphore, #tpu.memory_space<semaphore_mem>>
      %dma_start3A = arith.constant 0 : i32
      %dma_start3A_13 = tpu.memref_slice %arg5[%arg0, %mul3A_12, %dma_start3A] : memref<2x10240x128xf32, #tpu.memory_space<hbm>> -> memref<1x640x128xf32, #tpu.memory_space<hbm>>
      %dma_start3A_14 = tpu.memref_squeeze %dma_start3A_13 : memref<1x640x128xf32, #tpu.memory_space<hbm>> -> memref<640x128xf32, #tpu.memory_space<hbm>>
      %dma_start3A_15 = arith.constant 0 : i32
      %dma_start3A_16 = tpu.memref_slice %arg6[%mul3A_10, %dma_start3A_15] : memref<10240x128xf32, #tpu.memory_space<vmem_shared>> -> memref<640x128xf32, #tpu.memory_space<vmem_shared>>
      tpu.enqueue_dma source(%dma_start3A_16 : memref<640x128xf32, #tpu.memory_space<vmem_shared>>) target(%dma_start3A_14 : memref<640x128xf32, #tpu.memory_space<hbm>>) target_semaphore(%run_scoped3A : memref<!tpu.dma_semaphore, #tpu.memory_space<semaphore_mem>>)
      %dma_wait3A = arith.constant 0 : i32
      %dma_wait3A_17 = tpu.memref_slice %arg5[%arg0, %mul3A_12, %dma_wait3A] : memref<2x10240x128xf32, #tpu.memory_space<hbm>> -> memref<1x640x128xf32, #tpu.memory_space<hbm>>
      %dma_wait3A_18 = tpu.memref_squeeze %dma_wait3A_17 : memref<1x640x128xf32, #tpu.memory_space<hbm>> -> memref<640x128xf32, #tpu.memory_space<hbm>>
      %dma_wait3A_19 = arith.constant 0 : i32
      %dma_wait3A_20 = tpu.memref_slice %arg6[%mul3A_10, %dma_wait3A_19] : memref<10240x128xf32, #tpu.memory_space<vmem_shared>> -> memref<640x128xf32, #tpu.memory_space<vmem_shared>>
      tpu.wait_dma2 semaphore(%run_scoped3A : memref<!tpu.dma_semaphore, #tpu.memory_space<semaphore_mem>>) src(%dma_wait3A_20 : memref<640x128xf32, #tpu.memory_space<vmem_shared>>) dst(%dma_wait3A_18 : memref<640x128xf32, #tpu.memory_space<hbm>>)
      tpu.yield
    }) : () -> ()
    return
  }
}

#map = affine_map<(d0, d1) -> (0, 0)>
#map1 = affine_map<(d0, d1) -> (0)>
module attributes {stable_mosaic.version = 14 : i64} {
  func.func @_sc_gather(%arg0: i32, %arg1: i32, %arg2: memref<10000x32xf32, #tpu.memory_space<hbm>>, %arg3: memref<320000xi32, #tpu.memory_space<hbm>>, %arg4: memref<320000xi32, #tpu.memory_space<hbm>>, %arg5: memref<320000x32xf32, #tpu.memory_space<hbm>>, %arg6: memref<320000x32xf32, #tpu.memory_space<hbm>>, %arg7: memref<1000xi32, #tpu.memory_space<vmem>>, %arg8: memref<1000xi32, #tpu.memory_space<vmem>>, %arg9: memref<1000x32xf32, #tpu.memory_space<vmem>>, %arg10: memref<1000x32xf32, #tpu.memory_space<vmem>>, %arg11: memref<!tpu.dma_semaphore, #tpu.memory_space<semaphore_mem>>, %arg12: memref<!tpu.dma_semaphore, #tpu.memory_space<semaphore_mem>>) attributes {dimension_semantics = [#tpu.dimension_semantics<core_parallel>, #tpu.dimension_semantics<subcore_parallel>], iteration_bounds = array<i64: 2, 16>, scalar_prefetch = 0 : i64, scratch_operands = 6 : i64, tpu.core_type = #tpu.core_type<sc_vector_subcore>, window_params = [{transform_indices = #map}, {transform_indices = #map1}, {transform_indices = #map1}, {transform_indices = #map}, {transform_indices = #map}]} {
    %mul3A = arith.constant 2 : i32
    %mul3A_0 = arith.muli %arg1, %mul3A : i32
    %add3A = arith.addi %mul3A_0, %arg0 : i32
    %scan3A = arith.constant 0 : i32
    %scan3A_1 = arith.constant 0 : i32
    %scan3A_2 = arith.constant 10 : i32
    %scan3A_3 = arith.addi %scan3A_1, %scan3A_2 : i32
    %scan3A_4 = arith.constant 1 : i32
    scf.for %scan3A_6 = %scan3A_1 to %scan3A_3 step %scan3A_4  : i32 {
      %mul3A_7 = arith.constant 10000 : i32
      %mul3A_8 = arith.muli %add3A, %mul3A_7 : i32
      %mul3A_9 = arith.constant 1000 : i32
      %mul3A_10 = arith.muli %scan3A_6, %mul3A_9 : i32
      %add3A_11 = arith.addi %mul3A_8, %mul3A_10 : i32
      "tpu.region"() ({
        %run_scoped3A = tpu.sem_alloc : memref<!tpu.dma_semaphore, #tpu.memory_space<semaphore_mem>>
        %dma_start3A_22 = tpu.memref_slice %arg3[%add3A_11] : memref<320000xi32, #tpu.memory_space<hbm>> -> memref<1000xi32, #tpu.memory_space<hbm>>
        %dma_start3A_23 = tpu.memref_slice %arg3[%add3A_11] : memref<320000xi32, #tpu.memory_space<hbm>> -> memref<1000xi32, #tpu.memory_space<hbm>>
        tpu.enqueue_dma source(%dma_start3A_23 : memref<1000xi32, #tpu.memory_space<hbm>>) target(%arg7 : memref<1000xi32, #tpu.memory_space<vmem>>) target_semaphore(%run_scoped3A : memref<!tpu.dma_semaphore, #tpu.memory_space<semaphore_mem>>)
        %dma_wait3A_24 = tpu.memref_slice %arg3[%add3A_11] : memref<320000xi32, #tpu.memory_space<hbm>> -> memref<1000xi32, #tpu.memory_space<hbm>>
        %dma_wait3A_25 = tpu.memref_slice %arg3[%add3A_11] : memref<320000xi32, #tpu.memory_space<hbm>> -> memref<1000xi32, #tpu.memory_space<hbm>>
        tpu.wait_dma2 semaphore(%run_scoped3A : memref<!tpu.dma_semaphore, #tpu.memory_space<semaphore_mem>>) src(%dma_wait3A_25 : memref<1000xi32, #tpu.memory_space<hbm>>) dst(%arg7 : memref<1000xi32, #tpu.memory_space<vmem>>)
        tpu.yield
      }) : () -> ()
      "tpu.region"() ({
        %run_scoped3A = tpu.sem_alloc : memref<!tpu.dma_semaphore, #tpu.memory_space<semaphore_mem>>
        %dma_start3A_22 = tpu.memref_slice %arg4[%add3A_11] : memref<320000xi32, #tpu.memory_space<hbm>> -> memref<1000xi32, #tpu.memory_space<hbm>>
        %dma_start3A_23 = tpu.memref_slice %arg4[%add3A_11] : memref<320000xi32, #tpu.memory_space<hbm>> -> memref<1000xi32, #tpu.memory_space<hbm>>
        tpu.enqueue_dma source(%dma_start3A_23 : memref<1000xi32, #tpu.memory_space<hbm>>) target(%arg8 : memref<1000xi32, #tpu.memory_space<vmem>>) target_semaphore(%run_scoped3A : memref<!tpu.dma_semaphore, #tpu.memory_space<semaphore_mem>>)
        %dma_wait3A_24 = tpu.memref_slice %arg4[%add3A_11] : memref<320000xi32, #tpu.memory_space<hbm>> -> memref<1000xi32, #tpu.memory_space<hbm>>
        %dma_wait3A_25 = tpu.memref_slice %arg4[%add3A_11] : memref<320000xi32, #tpu.memory_space<hbm>> -> memref<1000xi32, #tpu.memory_space<hbm>>
        tpu.wait_dma2 semaphore(%run_scoped3A : memref<!tpu.dma_semaphore, #tpu.memory_space<semaphore_mem>>) src(%dma_wait3A_25 : memref<1000xi32, #tpu.memory_space<hbm>>) dst(%arg8 : memref<1000xi32, #tpu.memory_space<vmem>>)
        tpu.yield
      }) : () -> ()
      %dma_start3A = arith.constant 0 : i32
      %dma_start3A_12 = arith.constant 0 : i32
      %dma_start3A_13 = tpu.memref_slice %arg2[%dma_start3A, %dma_start3A_12] : memref<10000x32xf32, #tpu.memory_space<hbm>> -> memref<10000x32xf32, #tpu.memory_space<hbm>>
      tpu.enqueue_indirect_dma source(%dma_start3A_13 : memref<10000x32xf32, #tpu.memory_space<hbm>>) target(%arg9 : memref<1000x32xf32, #tpu.memory_space<vmem>>) offsets(%arg7 : memref<1000xi32, #tpu.memory_space<vmem>>) semaphore(%arg11 : memref<!tpu.dma_semaphore, #tpu.memory_space<semaphore_mem>>)
      %dma_start3A_14 = arith.constant 0 : i32
      %dma_start3A_15 = arith.constant 0 : i32
      %dma_start3A_16 = tpu.memref_slice %arg2[%dma_start3A_14, %dma_start3A_15] : memref<10000x32xf32, #tpu.memory_space<hbm>> -> memref<10000x32xf32, #tpu.memory_space<hbm>>
      tpu.enqueue_indirect_dma source(%dma_start3A_16 : memref<10000x32xf32, #tpu.memory_space<hbm>>) target(%arg10 : memref<1000x32xf32, #tpu.memory_space<vmem>>) offsets(%arg8 : memref<1000xi32, #tpu.memory_space<vmem>>) semaphore(%arg12 : memref<!tpu.dma_semaphore, #tpu.memory_space<semaphore_mem>>)
      %dma_wait3A = arith.constant 0 : i32
      %dma_wait3A_17 = arith.constant 0 : i32
      %dma_wait3A_18 = tpu.memref_slice %arg2[%dma_wait3A, %dma_wait3A_17] : memref<10000x32xf32, #tpu.memory_space<hbm>> -> memref<10000x32xf32, #tpu.memory_space<hbm>>
      tpu.wait_indirect_dma semaphore(%arg11 : memref<!tpu.dma_semaphore, #tpu.memory_space<semaphore_mem>>) src(%dma_wait3A_18 : memref<10000x32xf32, #tpu.memory_space<hbm>>) dst(%arg9 : memref<1000x32xf32, #tpu.memory_space<vmem>>)
      %dma_wait3A_19 = arith.constant 0 : i32
      %dma_wait3A_20 = arith.constant 0 : i32
      %dma_wait3A_21 = tpu.memref_slice %arg2[%dma_wait3A_19, %dma_wait3A_20] : memref<10000x32xf32, #tpu.memory_space<hbm>> -> memref<10000x32xf32, #tpu.memory_space<hbm>>
      tpu.wait_indirect_dma semaphore(%arg12 : memref<!tpu.dma_semaphore, #tpu.memory_space<semaphore_mem>>) src(%dma_wait3A_21 : memref<10000x32xf32, #tpu.memory_space<hbm>>) dst(%arg10 : memref<1000x32xf32, #tpu.memory_space<vmem>>)
      "tpu.region"() ({
        %run_scoped3A = tpu.sem_alloc : memref<!tpu.dma_semaphore, #tpu.memory_space<semaphore_mem>>
        %dma_start3A_22 = arith.constant 0 : i32
        %dma_start3A_23 = tpu.memref_slice %arg5[%add3A_11, %dma_start3A_22] : memref<320000x32xf32, #tpu.memory_space<hbm>> -> memref<1000x32xf32, #tpu.memory_space<hbm>>
        %dma_start3A_24 = arith.constant 0 : i32
        %dma_start3A_25 = tpu.memref_slice %arg5[%add3A_11, %dma_start3A_24] : memref<320000x32xf32, #tpu.memory_space<hbm>> -> memref<1000x32xf32, #tpu.memory_space<hbm>>
        tpu.enqueue_dma source(%arg9 : memref<1000x32xf32, #tpu.memory_space<vmem>>) target(%dma_start3A_25 : memref<1000x32xf32, #tpu.memory_space<hbm>>) target_semaphore(%run_scoped3A : memref<!tpu.dma_semaphore, #tpu.memory_space<semaphore_mem>>)
        %dma_wait3A_26 = arith.constant 0 : i32
        %dma_wait3A_27 = tpu.memref_slice %arg5[%add3A_11, %dma_wait3A_26] : memref<320000x32xf32, #tpu.memory_space<hbm>> -> memref<1000x32xf32, #tpu.memory_space<hbm>>
        %dma_wait3A_28 = arith.constant 0 : i32
        %dma_wait3A_29 = tpu.memref_slice %arg5[%add3A_11, %dma_wait3A_28] : memref<320000x32xf32, #tpu.memory_space<hbm>> -> memref<1000x32xf32, #tpu.memory_space<hbm>>
        tpu.wait_dma2 semaphore(%run_scoped3A : memref<!tpu.dma_semaphore, #tpu.memory_space<semaphore_mem>>) src(%arg9 : memref<1000x32xf32, #tpu.memory_space<vmem>>) dst(%dma_wait3A_29 : memref<1000x32xf32, #tpu.memory_space<hbm>>)
        tpu.yield
      }) : () -> ()
      "tpu.region"() ({
        %run_scoped3A = tpu.sem_alloc : memref<!tpu.dma_semaphore, #tpu.memory_space<semaphore_mem>>
        %dma_start3A_22 = arith.constant 0 : i32
        %dma_start3A_23 = tpu.memref_slice %arg6[%add3A_11, %dma_start3A_22] : memref<320000x32xf32, #tpu.memory_space<hbm>> -> memref<1000x32xf32, #tpu.memory_space<hbm>>
        %dma_start3A_24 = arith.constant 0 : i32
        %dma_start3A_25 = tpu.memref_slice %arg6[%add3A_11, %dma_start3A_24] : memref<320000x32xf32, #tpu.memory_space<hbm>> -> memref<1000x32xf32, #tpu.memory_space<hbm>>
        tpu.enqueue_dma source(%arg10 : memref<1000x32xf32, #tpu.memory_space<vmem>>) target(%dma_start3A_25 : memref<1000x32xf32, #tpu.memory_space<hbm>>) target_semaphore(%run_scoped3A : memref<!tpu.dma_semaphore, #tpu.memory_space<semaphore_mem>>)
        %dma_wait3A_26 = arith.constant 0 : i32
        %dma_wait3A_27 = tpu.memref_slice %arg6[%add3A_11, %dma_wait3A_26] : memref<320000x32xf32, #tpu.memory_space<hbm>> -> memref<1000x32xf32, #tpu.memory_space<hbm>>
        %dma_wait3A_28 = arith.constant 0 : i32
        %dma_wait3A_29 = tpu.memref_slice %arg6[%add3A_11, %dma_wait3A_28] : memref<320000x32xf32, #tpu.memory_space<hbm>> -> memref<1000x32xf32, #tpu.memory_space<hbm>>
        tpu.wait_dma2 semaphore(%run_scoped3A : memref<!tpu.dma_semaphore, #tpu.memory_space<semaphore_mem>>) src(%arg10 : memref<1000x32xf32, #tpu.memory_space<vmem>>) dst(%dma_wait3A_29 : memref<1000x32xf32, #tpu.memory_space<hbm>>)
        tpu.yield
      }) : () -> ()
    }
    %scan3A_5 = arith.constant 10 : i32
    return
  }
}

#map = affine_map<(d0, d1) -> (0, 0)>
#map1 = affine_map<(d0, d1) -> (0)>
#map2 = affine_map<(d0, d1) -> (0, 0, 0)>
module attributes {stable_mosaic.version = 14 : i64} {
  func.func @_sc_scatter(%arg0: i32, %arg1: i32, %arg2: memref<320000x128xf32, #tpu.memory_space<hbm>>, %arg3: memref<320000xi32, #tpu.memory_space<hbm>>, %arg4: memref<640x128xf32, #tpu.memory_space<hbm>>, %arg5: memref<2x10240x128xf32, #tpu.memory_space<hbm>>, %arg6: memref<10240x128xf32, #tpu.memory_space<vmem_shared>>, %arg7: memref<200xi32, #tpu.memory_space<vmem>>, %arg8: memref<200x128xf32, #tpu.memory_space<vmem>>) attributes {dimension_semantics = [#tpu.dimension_semantics<core_parallel>, #tpu.dimension_semantics<subcore_parallel>], iteration_bounds = array<i64: 2, 16>, scalar_prefetch = 0 : i64, scratch_operands = 3 : i64, tpu.core_type = #tpu.core_type<sc_vector_subcore>, window_params = [{transform_indices = #map}, {transform_indices = #map1}, {transform_indices = #map}, {transform_indices = #map2}]} {
    %mul3A = arith.constant 2 : i32
    %mul3A_0 = arith.muli %arg1, %mul3A : i32
    %add3A = arith.addi %mul3A_0, %arg0 : i32
    %mul3A_1 = arith.constant 640 : i32
    %mul3A_2 = arith.muli %arg1, %mul3A_1 : i32
    "tpu.region"() ({
      %run_scoped3A = tpu.sem_alloc : memref<!tpu.dma_semaphore, #tpu.memory_space<semaphore_mem>>
      %dma_start3A = arith.constant 0 : i32
      %dma_start3A_13 = tpu.memref_slice %arg6[%mul3A_2, %dma_start3A] : memref<10240x128xf32, #tpu.memory_space<vmem_shared>> -> memref<640x128xf32, #tpu.memory_space<vmem_shared>>
      tpu.enqueue_dma source(%arg4 : memref<640x128xf32, #tpu.memory_space<hbm>>) target(%dma_start3A_13 : memref<640x128xf32, #tpu.memory_space<vmem_shared>>) target_semaphore(%run_scoped3A : memref<!tpu.dma_semaphore, #tpu.memory_space<semaphore_mem>>)
      %dma_wait3A = arith.constant 0 : i32
      %dma_wait3A_14 = tpu.memref_slice %arg6[%mul3A_2, %dma_wait3A] : memref<10240x128xf32, #tpu.memory_space<vmem_shared>> -> memref<640x128xf32, #tpu.memory_space<vmem_shared>>
      tpu.wait_dma2 semaphore(%run_scoped3A : memref<!tpu.dma_semaphore, #tpu.memory_space<semaphore_mem>>) src(%arg4 : memref<640x128xf32, #tpu.memory_space<hbm>>) dst(%dma_wait3A_14 : memref<640x128xf32, #tpu.memory_space<vmem_shared>>)
      tpu.yield
    }) : () -> ()
    %barrier3A = arith.constant 0 : index
    tpu.barrier barrier_id(%barrier3A)
    %scan3A = arith.constant 0 : i32
    %scan3A_3 = arith.constant 0 : i32
    %scan3A_4 = arith.constant 50 : i32
    %scan3A_5 = arith.addi %scan3A_3, %scan3A_4 : i32
    %scan3A_6 = arith.constant 1 : i32
    scf.for %scan3A_13 = %scan3A_3 to %scan3A_5 step %scan3A_6  : i32 {
      %mul3A_14 = arith.constant 10000 : i32
      %mul3A_15 = arith.muli %add3A, %mul3A_14 : i32
      %mul3A_16 = arith.constant 200 : i32
      %mul3A_17 = arith.muli %scan3A_13, %mul3A_16 : i32
      %add3A_18 = arith.addi %mul3A_15, %mul3A_17 : i32
      "tpu.region"() ({
        %run_scoped3A = tpu.sem_alloc : memref<!tpu.dma_semaphore, #tpu.memory_space<semaphore_mem>>
        %dma_start3A = tpu.memref_slice %arg3[%add3A_18] : memref<320000xi32, #tpu.memory_space<hbm>> -> memref<200xi32, #tpu.memory_space<hbm>>
        %dma_start3A_19 = tpu.memref_slice %arg3[%add3A_18] : memref<320000xi32, #tpu.memory_space<hbm>> -> memref<200xi32, #tpu.memory_space<hbm>>
        tpu.enqueue_dma source(%dma_start3A_19 : memref<200xi32, #tpu.memory_space<hbm>>) target(%arg7 : memref<200xi32, #tpu.memory_space<vmem>>) target_semaphore(%run_scoped3A : memref<!tpu.dma_semaphore, #tpu.memory_space<semaphore_mem>>)
        %dma_wait3A = tpu.memref_slice %arg3[%add3A_18] : memref<320000xi32, #tpu.memory_space<hbm>> -> memref<200xi32, #tpu.memory_space<hbm>>
        %dma_wait3A_20 = tpu.memref_slice %arg3[%add3A_18] : memref<320000xi32, #tpu.memory_space<hbm>> -> memref<200xi32, #tpu.memory_space<hbm>>
        tpu.wait_dma2 semaphore(%run_scoped3A : memref<!tpu.dma_semaphore, #tpu.memory_space<semaphore_mem>>) src(%dma_wait3A_20 : memref<200xi32, #tpu.memory_space<hbm>>) dst(%arg7 : memref<200xi32, #tpu.memory_space<vmem>>)
        tpu.yield
      }) : () -> ()
      "tpu.region"() ({
        %run_scoped3A = tpu.sem_alloc : memref<!tpu.dma_semaphore, #tpu.memory_space<semaphore_mem>>
        %dma_start3A = arith.constant 0 : i32
        %dma_start3A_19 = tpu.memref_slice %arg2[%add3A_18, %dma_start3A] : memref<320000x128xf32, #tpu.memory_space<hbm>> -> memref<200x128xf32, #tpu.memory_space<hbm>>
        %dma_start3A_20 = arith.constant 0 : i32
        %dma_start3A_21 = tpu.memref_slice %arg2[%add3A_18, %dma_start3A_20] : memref<320000x128xf32, #tpu.memory_space<hbm>> -> memref<200x128xf32, #tpu.memory_space<hbm>>
        tpu.enqueue_dma source(%dma_start3A_21 : memref<200x128xf32, #tpu.memory_space<hbm>>) target(%arg8 : memref<200x128xf32, #tpu.memory_space<vmem>>) target_semaphore(%run_scoped3A : memref<!tpu.dma_semaphore, #tpu.memory_space<semaphore_mem>>)
        %dma_wait3A = arith.constant 0 : i32
        %dma_wait3A_22 = tpu.memref_slice %arg2[%add3A_18, %dma_wait3A] : memref<320000x128xf32, #tpu.memory_space<hbm>> -> memref<200x128xf32, #tpu.memory_space<hbm>>
        %dma_wait3A_23 = arith.constant 0 : i32
        %dma_wait3A_24 = tpu.memref_slice %arg2[%add3A_18, %dma_wait3A_23] : memref<320000x128xf32, #tpu.memory_space<hbm>> -> memref<200x128xf32, #tpu.memory_space<hbm>>
        tpu.wait_dma2 semaphore(%run_scoped3A : memref<!tpu.dma_semaphore, #tpu.memory_space<semaphore_mem>>) src(%dma_wait3A_24 : memref<200x128xf32, #tpu.memory_space<hbm>>) dst(%arg8 : memref<200x128xf32, #tpu.memory_space<vmem>>)
        tpu.yield
      }) : () -> ()
      "tpu.region"() ({
        %run_scoped3A = tpu.sem_alloc : memref<!tpu.dma_semaphore, #tpu.memory_space<semaphore_mem>>
        %dma_start3A = arith.constant 0 : i32
        %dma_start3A_19 = arith.constant 0 : i32
        %dma_start3A_20 = tpu.memref_slice %arg6[%dma_start3A, %dma_start3A_19] : memref<10240x128xf32, #tpu.memory_space<vmem_shared>> -> memref<10240x128xf32, #tpu.memory_space<vmem_shared>>
        tpu.enqueue_indirect_dma source(%arg8 : memref<200x128xf32, #tpu.memory_space<vmem>>) target(%dma_start3A_20 : memref<10240x128xf32, #tpu.memory_space<vmem_shared>>) offsets(%arg7 : memref<200xi32, #tpu.memory_space<vmem>>) semaphore(%run_scoped3A : memref<!tpu.dma_semaphore, #tpu.memory_space<semaphore_mem>>) {add = true}
        %dma_wait3A = arith.constant 0 : i32
        %dma_wait3A_21 = arith.constant 0 : i32
        %dma_wait3A_22 = tpu.memref_slice %arg6[%dma_wait3A, %dma_wait3A_21] : memref<10240x128xf32, #tpu.memory_space<vmem_shared>> -> memref<10240x128xf32, #tpu.memory_space<vmem_shared>>
        tpu.wait_indirect_dma semaphore(%run_scoped3A : memref<!tpu.dma_semaphore, #tpu.memory_space<semaphore_mem>>) src(%arg8 : memref<200x128xf32, #tpu.memory_space<vmem>>) dst(%dma_wait3A_22 : memref<10240x128xf32, #tpu.memory_space<vmem_shared>>)
        tpu.yield
      }) : () -> ()
    }
    %scan3A_7 = arith.constant 50 : i32
    %barrier3A_8 = arith.constant 0 : index
    tpu.barrier barrier_id(%barrier3A_8)
    %mul3A_9 = arith.constant 640 : i32
    %mul3A_10 = arith.muli %arg1, %mul3A_9 : i32
    %mul3A_11 = arith.constant 640 : i32
    %mul3A_12 = arith.muli %arg1, %mul3A_11 : i32
    "tpu.region"() ({
      %run_scoped3A = tpu.sem_alloc : memref<!tpu.dma_semaphore, #tpu.memory_space<semaphore_mem>>
      %dma_start3A = arith.constant 0 : i32
      %dma_start3A_13 = tpu.memref_slice %arg5[%arg0, %mul3A_12, %dma_start3A] : memref<2x10240x128xf32, #tpu.memory_space<hbm>> -> memref<1x640x128xf32, #tpu.memory_space<hbm>>
      %dma_start3A_14 = tpu.memref_squeeze %dma_start3A_13 : memref<1x640x128xf32, #tpu.memory_space<hbm>> -> memref<640x128xf32, #tpu.memory_space<hbm>>
      %dma_start3A_15 = arith.constant 0 : i32
      %dma_start3A_16 = tpu.memref_slice %arg6[%mul3A_10, %dma_start3A_15] : memref<10240x128xf32, #tpu.memory_space<vmem_shared>> -> memref<640x128xf32, #tpu.memory_space<vmem_shared>>
      tpu.enqueue_dma source(%dma_start3A_16 : memref<640x128xf32, #tpu.memory_space<vmem_shared>>) target(%dma_start3A_14 : memref<640x128xf32, #tpu.memory_space<hbm>>) target_semaphore(%run_scoped3A : memref<!tpu.dma_semaphore, #tpu.memory_space<semaphore_mem>>)
      %dma_wait3A = arith.constant 0 : i32
      %dma_wait3A_17 = tpu.memref_slice %arg5[%arg0, %mul3A_12, %dma_wait3A] : memref<2x10240x128xf32, #tpu.memory_space<hbm>> -> memref<1x640x128xf32, #tpu.memory_space<hbm>>
      %dma_wait3A_18 = tpu.memref_squeeze %dma_wait3A_17 : memref<1x640x128xf32, #tpu.memory_space<hbm>> -> memref<640x128xf32, #tpu.memory_space<hbm>>
      %dma_wait3A_19 = arith.constant 0 : i32
      %dma_wait3A_20 = tpu.memref_slice %arg6[%mul3A_10, %dma_wait3A_19] : memref<10240x128xf32, #tpu.memory_space<vmem_shared>> -> memref<640x128xf32, #tpu.memory_space<vmem_shared>>
      tpu.wait_dma2 semaphore(%run_scoped3A : memref<!tpu.dma_semaphore, #tpu.memory_space<semaphore_mem>>) src(%dma_wait3A_20 : memref<640x128xf32, #tpu.memory_space<vmem_shared>>) dst(%dma_wait3A_18 : memref<640x128xf32, #tpu.memory_space<hbm>>)
      tpu.yield
    }) : () -> ()
    return
  }
}

#map = affine_map<(d0, d1) -> (0, 0)>
#map1 = affine_map<(d0, d1) -> (0)>
module attributes {stable_mosaic.version = 14 : i64} {
  func.func @_sc_gather(%arg0: i32, %arg1: i32, %arg2: memref<10000x32xf32, #tpu.memory_space<hbm>>, %arg3: memref<320000xi32, #tpu.memory_space<hbm>>, %arg4: memref<320000xi32, #tpu.memory_space<hbm>>, %arg5: memref<320000x32xf32, #tpu.memory_space<hbm>>, %arg6: memref<320000x32xf32, #tpu.memory_space<hbm>>, %arg7: memref<1000xi32, #tpu.memory_space<vmem>>, %arg8: memref<1000xi32, #tpu.memory_space<vmem>>, %arg9: memref<1000x32xf32, #tpu.memory_space<vmem>>, %arg10: memref<1000x32xf32, #tpu.memory_space<vmem>>, %arg11: memref<!tpu.dma_semaphore, #tpu.memory_space<semaphore_mem>>, %arg12: memref<!tpu.dma_semaphore, #tpu.memory_space<semaphore_mem>>) attributes {dimension_semantics = [#tpu.dimension_semantics<core_parallel>, #tpu.dimension_semantics<subcore_parallel>], iteration_bounds = array<i64: 2, 16>, scalar_prefetch = 0 : i64, scratch_operands = 6 : i64, tpu.core_type = #tpu.core_type<sc_vector_subcore>, window_params = [{transform_indices = #map}, {transform_indices = #map1}, {transform_indices = #map1}, {transform_indices = #map}, {transform_indices = #map}]} {
    %mul3A = arith.constant 2 : i32
    %mul3A_0 = arith.muli %arg1, %mul3A : i32
    %add3A = arith.addi %mul3A_0, %arg0 : i32
    %scan3A = arith.constant 0 : i32
    %scan3A_1 = arith.constant 0 : i32
    %scan3A_2 = arith.constant 10 : i32
    %scan3A_3 = arith.addi %scan3A_1, %scan3A_2 : i32
    %scan3A_4 = arith.constant 1 : i32
    scf.for %scan3A_6 = %scan3A_1 to %scan3A_3 step %scan3A_4  : i32 {
      %mul3A_7 = arith.constant 10000 : i32
      %mul3A_8 = arith.muli %add3A, %mul3A_7 : i32
      %mul3A_9 = arith.constant 1000 : i32
      %mul3A_10 = arith.muli %scan3A_6, %mul3A_9 : i32
      %add3A_11 = arith.addi %mul3A_8, %mul3A_10 : i32
      "tpu.region"() ({
        %run_scoped3A = tpu.sem_alloc : memref<!tpu.dma_semaphore, #tpu.memory_space<semaphore_mem>>
        %dma_start3A_22 = tpu.memref_slice %arg3[%add3A_11] : memref<320000xi32, #tpu.memory_space<hbm>> -> memref<1000xi32, #tpu.memory_space<hbm>>
        %dma_start3A_23 = tpu.memref_slice %arg3[%add3A_11] : memref<320000xi32, #tpu.memory_space<hbm>> -> memref<1000xi32, #tpu.memory_space<hbm>>
        tpu.enqueue_dma source(%dma_start3A_23 : memref<1000xi32, #tpu.memory_space<hbm>>) target(%arg7 : memref<1000xi32, #tpu.memory_space<vmem>>) target_semaphore(%run_scoped3A : memref<!tpu.dma_semaphore, #tpu.memory_space<semaphore_mem>>)
        %dma_wait3A_24 = tpu.memref_slice %arg3[%add3A_11] : memref<320000xi32, #tpu.memory_space<hbm>> -> memref<1000xi32, #tpu.memory_space<hbm>>
        %dma_wait3A_25 = tpu.memref_slice %arg3[%add3A_11] : memref<320000xi32, #tpu.memory_space<hbm>> -> memref<1000xi32, #tpu.memory_space<hbm>>
        tpu.wait_dma2 semaphore(%run_scoped3A : memref<!tpu.dma_semaphore, #tpu.memory_space<semaphore_mem>>) src(%dma_wait3A_25 : memref<1000xi32, #tpu.memory_space<hbm>>) dst(%arg7 : memref<1000xi32, #tpu.memory_space<vmem>>)
        tpu.yield
      }) : () -> ()
      "tpu.region"() ({
        %run_scoped3A = tpu.sem_alloc : memref<!tpu.dma_semaphore, #tpu.memory_space<semaphore_mem>>
        %dma_start3A_22 = tpu.memref_slice %arg4[%add3A_11] : memref<320000xi32, #tpu.memory_space<hbm>> -> memref<1000xi32, #tpu.memory_space<hbm>>
        %dma_start3A_23 = tpu.memref_slice %arg4[%add3A_11] : memref<320000xi32, #tpu.memory_space<hbm>> -> memref<1000xi32, #tpu.memory_space<hbm>>
        tpu.enqueue_dma source(%dma_start3A_23 : memref<1000xi32, #tpu.memory_space<hbm>>) target(%arg8 : memref<1000xi32, #tpu.memory_space<vmem>>) target_semaphore(%run_scoped3A : memref<!tpu.dma_semaphore, #tpu.memory_space<semaphore_mem>>)
        %dma_wait3A_24 = tpu.memref_slice %arg4[%add3A_11] : memref<320000xi32, #tpu.memory_space<hbm>> -> memref<1000xi32, #tpu.memory_space<hbm>>
        %dma_wait3A_25 = tpu.memref_slice %arg4[%add3A_11] : memref<320000xi32, #tpu.memory_space<hbm>> -> memref<1000xi32, #tpu.memory_space<hbm>>
        tpu.wait_dma2 semaphore(%run_scoped3A : memref<!tpu.dma_semaphore, #tpu.memory_space<semaphore_mem>>) src(%dma_wait3A_25 : memref<1000xi32, #tpu.memory_space<hbm>>) dst(%arg8 : memref<1000xi32, #tpu.memory_space<vmem>>)
        tpu.yield
      }) : () -> ()
      %dma_start3A = arith.constant 0 : i32
      %dma_start3A_12 = arith.constant 0 : i32
      %dma_start3A_13 = tpu.memref_slice %arg2[%dma_start3A, %dma_start3A_12] : memref<10000x32xf32, #tpu.memory_space<hbm>> -> memref<10000x32xf32, #tpu.memory_space<hbm>>
      tpu.enqueue_indirect_dma source(%dma_start3A_13 : memref<10000x32xf32, #tpu.memory_space<hbm>>) target(%arg9 : memref<1000x32xf32, #tpu.memory_space<vmem>>) offsets(%arg7 : memref<1000xi32, #tpu.memory_space<vmem>>) semaphore(%arg11 : memref<!tpu.dma_semaphore, #tpu.memory_space<semaphore_mem>>)
      %dma_start3A_14 = arith.constant 0 : i32
      %dma_start3A_15 = arith.constant 0 : i32
      %dma_start3A_16 = tpu.memref_slice %arg2[%dma_start3A_14, %dma_start3A_15] : memref<10000x32xf32, #tpu.memory_space<hbm>> -> memref<10000x32xf32, #tpu.memory_space<hbm>>
      tpu.enqueue_indirect_dma source(%dma_start3A_16 : memref<10000x32xf32, #tpu.memory_space<hbm>>) target(%arg10 : memref<1000x32xf32, #tpu.memory_space<vmem>>) offsets(%arg8 : memref<1000xi32, #tpu.memory_space<vmem>>) semaphore(%arg12 : memref<!tpu.dma_semaphore, #tpu.memory_space<semaphore_mem>>)
      %dma_wait3A = arith.constant 0 : i32
      %dma_wait3A_17 = arith.constant 0 : i32
      %dma_wait3A_18 = tpu.memref_slice %arg2[%dma_wait3A, %dma_wait3A_17] : memref<10000x32xf32, #tpu.memory_space<hbm>> -> memref<10000x32xf32, #tpu.memory_space<hbm>>
      tpu.wait_indirect_dma semaphore(%arg11 : memref<!tpu.dma_semaphore, #tpu.memory_space<semaphore_mem>>) src(%dma_wait3A_18 : memref<10000x32xf32, #tpu.memory_space<hbm>>) dst(%arg9 : memref<1000x32xf32, #tpu.memory_space<vmem>>)
      %dma_wait3A_19 = arith.constant 0 : i32
      %dma_wait3A_20 = arith.constant 0 : i32
      %dma_wait3A_21 = tpu.memref_slice %arg2[%dma_wait3A_19, %dma_wait3A_20] : memref<10000x32xf32, #tpu.memory_space<hbm>> -> memref<10000x32xf32, #tpu.memory_space<hbm>>
      tpu.wait_indirect_dma semaphore(%arg12 : memref<!tpu.dma_semaphore, #tpu.memory_space<semaphore_mem>>) src(%dma_wait3A_21 : memref<10000x32xf32, #tpu.memory_space<hbm>>) dst(%arg10 : memref<1000x32xf32, #tpu.memory_space<vmem>>)
      "tpu.region"() ({
        %run_scoped3A = tpu.sem_alloc : memref<!tpu.dma_semaphore, #tpu.memory_space<semaphore_mem>>
        %dma_start3A_22 = arith.constant 0 : i32
        %dma_start3A_23 = tpu.memref_slice %arg5[%add3A_11, %dma_start3A_22] : memref<320000x32xf32, #tpu.memory_space<hbm>> -> memref<1000x32xf32, #tpu.memory_space<hbm>>
        %dma_start3A_24 = arith.constant 0 : i32
        %dma_start3A_25 = tpu.memref_slice %arg5[%add3A_11, %dma_start3A_24] : memref<320000x32xf32, #tpu.memory_space<hbm>> -> memref<1000x32xf32, #tpu.memory_space<hbm>>
        tpu.enqueue_dma source(%arg9 : memref<1000x32xf32, #tpu.memory_space<vmem>>) target(%dma_start3A_25 : memref<1000x32xf32, #tpu.memory_space<hbm>>) target_semaphore(%run_scoped3A : memref<!tpu.dma_semaphore, #tpu.memory_space<semaphore_mem>>)
        %dma_wait3A_26 = arith.constant 0 : i32
        %dma_wait3A_27 = tpu.memref_slice %arg5[%add3A_11, %dma_wait3A_26] : memref<320000x32xf32, #tpu.memory_space<hbm>> -> memref<1000x32xf32, #tpu.memory_space<hbm>>
        %dma_wait3A_28 = arith.constant 0 : i32
        %dma_wait3A_29 = tpu.memref_slice %arg5[%add3A_11, %dma_wait3A_28] : memref<320000x32xf32, #tpu.memory_space<hbm>> -> memref<1000x32xf32, #tpu.memory_space<hbm>>
        tpu.wait_dma2 semaphore(%run_scoped3A : memref<!tpu.dma_semaphore, #tpu.memory_space<semaphore_mem>>) src(%arg9 : memref<1000x32xf32, #tpu.memory_space<vmem>>) dst(%dma_wait3A_29 : memref<1000x32xf32, #tpu.memory_space<hbm>>)
        tpu.yield
      }) : () -> ()
      "tpu.region"() ({
        %run_scoped3A = tpu.sem_alloc : memref<!tpu.dma_semaphore, #tpu.memory_space<semaphore_mem>>
        %dma_start3A_22 = arith.constant 0 : i32
        %dma_start3A_23 = tpu.memref_slice %arg6[%add3A_11, %dma_start3A_22] : memref<320000x32xf32, #tpu.memory_space<hbm>> -> memref<1000x32xf32, #tpu.memory_space<hbm>>
        %dma_start3A_24 = arith.constant 0 : i32
        %dma_start3A_25 = tpu.memref_slice %arg6[%add3A_11, %dma_start3A_24] : memref<320000x32xf32, #tpu.memory_space<hbm>> -> memref<1000x32xf32, #tpu.memory_space<hbm>>
        tpu.enqueue_dma source(%arg10 : memref<1000x32xf32, #tpu.memory_space<vmem>>) target(%dma_start3A_25 : memref<1000x32xf32, #tpu.memory_space<hbm>>) target_semaphore(%run_scoped3A : memref<!tpu.dma_semaphore, #tpu.memory_space<semaphore_mem>>)
        %dma_wait3A_26 = arith.constant 0 : i32
        %dma_wait3A_27 = tpu.memref_slice %arg6[%add3A_11, %dma_wait3A_26] : memref<320000x32xf32, #tpu.memory_space<hbm>> -> memref<1000x32xf32, #tpu.memory_space<hbm>>
        %dma_wait3A_28 = arith.constant 0 : i32
        %dma_wait3A_29 = tpu.memref_slice %arg6[%add3A_11, %dma_wait3A_28] : memref<320000x32xf32, #tpu.memory_space<hbm>> -> memref<1000x32xf32, #tpu.memory_space<hbm>>
        tpu.wait_dma2 semaphore(%run_scoped3A : memref<!tpu.dma_semaphore, #tpu.memory_space<semaphore_mem>>) src(%arg10 : memref<1000x32xf32, #tpu.memory_space<vmem>>) dst(%dma_wait3A_29 : memref<1000x32xf32, #tpu.memory_space<hbm>>)
        tpu.yield
      }) : () -> ()
    }
    %scan3A_5 = arith.constant 10 : i32
    return
  }
}

module attributes {stable_mosaic.version = 14 : i64} {
  func.func @_mlp_in_body(%arg0: i32, %arg1: memref<2000x128xf32, #tpu.memory_space<vmem>>, %arg2: memref<128x128xf32, #tpu.memory_space<vmem>>, %arg3: memref<1x128xf32, #tpu.memory_space<vmem>>, %arg4: memref<1x128xf32, #tpu.memory_space<vmem>>, %arg5: memref<1x128xf32, #tpu.memory_space<vmem>>, %arg6: memref<128x32xf32, #tpu.memory_space<vmem>>, %arg7: memref<2000x128xf32, #tpu.memory_space<vmem>>, %arg8: memref<2000x32xf32, #tpu.memory_space<vmem>>) attributes {dimension_semantics = [#tpu.dimension_semantics<arbitrary>], iteration_bounds = array<i64: 5>, scalar_prefetch = 0 : i64, scratch_operands = 0 : i64, tpu.core_type = #tpu.core_type<tc>, window_params = [{transform_indices = @transform_0, window_bounds = array<i64: 2000, 128>}, {pipeline_mode = #tpu.pipeline_mode<synchronous>, transform_indices = @transform_1, window_bounds = array<i64: 128, 128>}, {pipeline_mode = #tpu.pipeline_mode<synchronous>, transform_indices = @transform_2, window_bounds = array<i64: 1, 128>}, {pipeline_mode = #tpu.pipeline_mode<synchronous>, transform_indices = @transform_3, window_bounds = array<i64: 1, 128>}, {pipeline_mode = #tpu.pipeline_mode<synchronous>, transform_indices = @transform_4, window_bounds = array<i64: 1, 128>}, {pipeline_mode = #tpu.pipeline_mode<synchronous>, transform_indices = @transform_5, window_bounds = array<i64: 128, 32>}, {transform_indices = @transform_6, window_bounds = array<i64: 2000, 128>}, {transform_indices = @transform_7, window_bounds = array<i64: 2000, 32>}]} {
    %get3A = arith.constant 0 : index
    %get3A_0 = arith.constant 0 : index
    %get3A_1 = vector.load %arg1[%get3A, %get3A_0] : memref<2000x128xf32, #tpu.memory_space<vmem>>, vector<2000x128xf32>
    %get3A_2 = arith.constant 0 : index
    %get3A_3 = arith.constant 0 : index
    %get3A_4 = vector.load %arg2[%get3A_2, %get3A_3] : memref<128x128xf32, #tpu.memory_space<vmem>>, vector<128x128xf32>
    %dot_general3A = arith.constant dense<0.000000e+00> : vector<2000x128xf32>
    %dot_general3A_5 = tpu.matmul %get3A_1, %get3A_4, %dot_general3A {dimension_numbers = #tpu.dot_dimension_numbers<[1], [0], [0], [1], [0, 0, 1, 1], [], []>, transpose_lhs_hint = false} : vector<2000x128xf32>, vector<128x128xf32>, vector<2000x128xf32> -> vector<2000x128xf32>
    %get3A_6 = arith.constant 0 : index
    %get3A_7 = arith.constant 0 : index
    %get3A_8 = vector.load %arg3[%get3A_6, %get3A_7] : memref<1x128xf32, #tpu.memory_space<vmem>>, vector<1x128xf32>
    %add3A = vector.broadcast %get3A_8 : vector<1x128xf32> to vector<2000x128xf32>
    %add3A_9 = arith.addf %dot_general3A_5, %add3A : vector<2000x128xf32>
    %max3A = arith.constant 0.000000e+00 : f32
    %max3A_10 = vector.broadcast %max3A : f32 to vector<2000x128xf32>
    %max3A_11 = arith.maximumf %add3A_9, %max3A_10 : vector<2000x128xf32>
    %reduce_sum3A = arith.constant dense<0.000000e+00> : vector<2000xf32>
    %reduce_sum3A_12 = vector.multi_reduction <add>, %max3A_11, %reduce_sum3A [1] : vector<2000x128xf32> to vector<2000xf32>
    %broadcast_in_dim3A = vector.shape_cast %reduce_sum3A_12 : vector<2000xf32> to vector<2000x1xf32>
    %div3A = arith.constant 1.280000e+02 : f32
    %div3A_13 = vector.broadcast %div3A : f32 to vector<2000x1xf32>
    %div3A_14 = arith.divf %broadcast_in_dim3A, %div3A_13 : vector<2000x1xf32>
    %sub3A = vector.broadcast %div3A_14 : vector<2000x1xf32> to vector<2000x128xf32>
    %sub3A_15 = arith.subf %max3A_11, %sub3A : vector<2000x128xf32>
    %sub3A_16 = vector.broadcast %div3A_14 : vector<2000x1xf32> to vector<2000x128xf32>
    %sub3A_17 = arith.subf %max3A_11, %sub3A_16 : vector<2000x128xf32>
    %mul3A = arith.mulf %sub3A_15, %sub3A_17 : vector<2000x128xf32>
    %reduce_sum3A_18 = arith.constant dense<0.000000e+00> : vector<2000xf32>
    %reduce_sum3A_19 = vector.multi_reduction <add>, %mul3A, %reduce_sum3A_18 [1] : vector<2000x128xf32> to vector<2000xf32>
    %broadcast_in_dim3A_20 = vector.shape_cast %reduce_sum3A_19 : vector<2000xf32> to vector<2000x1xf32>
    %div3A_21 = arith.constant 1.280000e+02 : f32
    %div3A_22 = vector.broadcast %div3A_21 : f32 to vector<2000x1xf32>
    %div3A_23 = arith.divf %broadcast_in_dim3A_20, %div3A_22 : vector<2000x1xf32>
    %sub3A_24 = vector.broadcast %div3A_14 : vector<2000x1xf32> to vector<2000x128xf32>
    %sub3A_25 = arith.subf %max3A_11, %sub3A_24 : vector<2000x128xf32>
    %add3A_26 = arith.constant 9.99999974E-6 : f32
    %add3A_27 = vector.broadcast %add3A_26 : f32 to vector<2000x1xf32>
    %add3A_28 = arith.addf %div3A_23, %add3A_27 : vector<2000x1xf32>
    %rsqrt3A = math.rsqrt %add3A_28 : vector<2000x1xf32>
    %mul3A_29 = vector.broadcast %rsqrt3A : vector<2000x1xf32> to vector<2000x128xf32>
    %mul3A_30 = arith.mulf %sub3A_25, %mul3A_29 : vector<2000x128xf32>
    %get3A_31 = arith.constant 0 : index
    %get3A_32 = arith.constant 0 : index
    %get3A_33 = vector.load %arg4[%get3A_31, %get3A_32] : memref<1x128xf32, #tpu.memory_space<vmem>>, vector<1x128xf32>
    %mul3A_34 = vector.broadcast %get3A_33 : vector<1x128xf32> to vector<2000x128xf32>
    %mul3A_35 = arith.mulf %mul3A_30, %mul3A_34 : vector<2000x128xf32>
    %get3A_36 = arith.constant 0 : index
    %get3A_37 = arith.constant 0 : index
    %get3A_38 = vector.load %arg5[%get3A_36, %get3A_37] : memref<1x128xf32, #tpu.memory_space<vmem>>, vector<1x128xf32>
    %add3A_39 = vector.broadcast %get3A_38 : vector<1x128xf32> to vector<2000x128xf32>
    %add3A_40 = arith.addf %mul3A_35, %add3A_39 : vector<2000x128xf32>
    %swap3A = arith.constant 0 : index
    %swap3A_41 = arith.constant 0 : index
    %swap3A_42 = vector.load %arg7[%swap3A, %swap3A_41] : memref<2000x128xf32, #tpu.memory_space<vmem>>, vector<2000x128xf32>
    tpu.vector_store %arg7[%swap3A, %swap3A_41], %add3A_40 {strides = array<i32>} : memref<2000x128xf32, #tpu.memory_space<vmem>>, vector<2000x128xf32>,
    %get3A_43 = arith.constant 0 : index
    %get3A_44 = arith.constant 0 : index
    %get3A_45 = vector.load %arg6[%get3A_43, %get3A_44] : memref<128x32xf32, #tpu.memory_space<vmem>>, vector<128x32xf32>
    %dot_general3A_46 = arith.constant dense<0.000000e+00> : vector<2000x32xf32>
    %dot_general3A_47 = tpu.matmul %add3A_40, %get3A_45, %dot_general3A_46 {dimension_numbers = #tpu.dot_dimension_numbers<[1], [0], [0], [1], [0, 0, 1, 1], [], []>, transpose_lhs_hint = false} : vector<2000x128xf32>, vector<128x32xf32>, vector<2000x32xf32> -> vector<2000x32xf32>
    %swap3A_48 = arith.constant 0 : index
    %swap3A_49 = arith.constant 0 : index
    %swap3A_50 = vector.load %arg8[%swap3A_48, %swap3A_49] : memref<2000x32xf32, #tpu.memory_space<vmem>>, vector<2000x32xf32>
    tpu.vector_store %arg8[%swap3A_48, %swap3A_49], %dot_general3A_47 {strides = array<i32>} : memref<2000x32xf32, #tpu.memory_space<vmem>>, vector<2000x32xf32>,
    return
  }
  func.func @transform_0(%arg0: i32) -> (i32, i32) {
    %c0_i32 = arith.constant 0 : i32
    %c0_i32_0 = arith.constant 0 : i32
    return %arg0, %c0_i32 : i32, i32
  }
  func.func @transform_1(%arg0: i32) -> (i32, i32) {
    %c0_i32 = arith.constant 0 : i32
    %c0_i32_0 = arith.constant 0 : i32
    %c0_i32_1 = arith.constant 0 : i32
    return %c0_i32, %c0_i32_0 : i32, i32
  }
  func.func @transform_2(%arg0: i32) -> (i32, i32) {
    %c0_i32 = arith.constant 0 : i32
    %c0_i32_0 = arith.constant 0 : i32
    %c0_i32_1 = arith.constant 0 : i32
    return %c0_i32, %c0_i32_0 : i32, i32
  }
  func.func @transform_3(%arg0: i32) -> (i32, i32) {
    %c0_i32 = arith.constant 0 : i32
    %c0_i32_0 = arith.constant 0 : i32
    %c0_i32_1 = arith.constant 0 : i32
    return %c0_i32, %c0_i32_0 : i32, i32
  }
  func.func @transform_4(%arg0: i32) -> (i32, i32) {
    %c0_i32 = arith.constant 0 : i32
    %c0_i32_0 = arith.constant 0 : i32
    %c0_i32_1 = arith.constant 0 : i32
    return %c0_i32, %c0_i32_0 : i32, i32
  }
  func.func @transform_5(%arg0: i32) -> (i32, i32) {
    %c0_i32 = arith.constant 0 : i32
    %c0_i32_0 = arith.constant 0 : i32
    %c0_i32_1 = arith.constant 0 : i32
    return %c0_i32, %c0_i32_0 : i32, i32
  }
  func.func @transform_6(%arg0: i32) -> (i32, i32) {
    %c0_i32 = arith.constant 0 : i32
    %c0_i32_0 = arith.constant 0 : i32
    return %arg0, %c0_i32 : i32, i32
  }
  func.func @transform_7(%arg0: i32) -> (i32, i32) {
    %c0_i32 = arith.constant 0 : i32
    %c0_i32_0 = arith.constant 0 : i32
    return %arg0, %c0_i32 : i32, i32
  }
}

module attributes {stable_mosaic.version = 14 : i64} {
  func.func @_edge_body(%arg0: i32, %arg1: memref<8000x32xf32, #tpu.memory_space<vmem>>, %arg2: memref<8000x32xf32, #tpu.memory_space<vmem>>, %arg3: memref<32x128xf32, #tpu.memory_space<vmem>>, %arg4: memref<128x128xf32, #tpu.memory_space<vmem>>, %arg5: memref<32x128xf32, #tpu.memory_space<vmem>>, %arg6: memref<128x128xf32, #tpu.memory_space<vmem>>, %arg7: memref<8000x128xf32, #tpu.memory_space<vmem>>) attributes {dimension_semantics = [#tpu.dimension_semantics<arbitrary>], iteration_bounds = array<i64: 40>, scalar_prefetch = 0 : i64, scratch_operands = 0 : i64, tpu.core_type = #tpu.core_type<tc>, window_params = [{transform_indices = @transform_0, window_bounds = array<i64: 8000, 32>}, {transform_indices = @transform_1, window_bounds = array<i64: 8000, 32>}, {pipeline_mode = #tpu.pipeline_mode<synchronous>, transform_indices = @transform_2, window_bounds = array<i64: 32, 128>}, {pipeline_mode = #tpu.pipeline_mode<synchronous>, transform_indices = @transform_3, window_bounds = array<i64: 128, 128>}, {pipeline_mode = #tpu.pipeline_mode<synchronous>, transform_indices = @transform_4, window_bounds = array<i64: 32, 128>}, {pipeline_mode = #tpu.pipeline_mode<synchronous>, transform_indices = @transform_5, window_bounds = array<i64: 128, 128>}, {transform_indices = @transform_6, window_bounds = array<i64: 8000, 128>}]} {
    %get3A = arith.constant 0 : index
    %get3A_0 = arith.constant 0 : index
    %get3A_1 = vector.load %arg1[%get3A, %get3A_0] : memref<8000x32xf32, #tpu.memory_space<vmem>>, vector<8000x32xf32>
    %get3A_2 = arith.constant 0 : index
    %get3A_3 = arith.constant 0 : index
    %get3A_4 = vector.load %arg2[%get3A_2, %get3A_3] : memref<8000x32xf32, #tpu.memory_space<vmem>>, vector<8000x32xf32>
    %mul3A = arith.constant 5.000000e-01 : f32
    %mul3A_5 = vector.broadcast %mul3A : f32 to vector<8000x32xf32>
    %mul3A_6 = arith.mulf %mul3A_5, %get3A_1 : vector<8000x32xf32>
    %add3A = arith.addf %mul3A_6, %get3A_4 : vector<8000x32xf32>
    %max3A = arith.constant 0.000000e+00 : f32
    %max3A_7 = vector.broadcast %max3A : f32 to vector<8000x32xf32>
    %max3A_8 = arith.maximumf %add3A, %max3A_7 : vector<8000x32xf32>
    %get3A_9 = arith.constant 0 : index
    %get3A_10 = arith.constant 0 : index
    %get3A_11 = vector.load %arg3[%get3A_9, %get3A_10] : memref<32x128xf32, #tpu.memory_space<vmem>>, vector<32x128xf32>
    %dot_general3A = arith.constant dense<0.000000e+00> : vector<8000x128xf32>
    %dot_general3A_12 = tpu.matmul %max3A_8, %get3A_11, %dot_general3A {dimension_numbers = #tpu.dot_dimension_numbers<[1], [0], [0], [1], [0, 0, 1, 1], [], []>, transpose_lhs_hint = false} : vector<8000x32xf32>, vector<32x128xf32>, vector<8000x128xf32> -> vector<8000x128xf32>
    %exp3A = math.exp %dot_general3A_12 : vector<8000x128xf32>
    %get3A_13 = arith.constant 0 : index
    %get3A_14 = arith.constant 0 : index
    %get3A_15 = vector.load %arg4[%get3A_13, %get3A_14] : memref<128x128xf32, #tpu.memory_space<vmem>>, vector<128x128xf32>
    %dot_general3A_16 = arith.constant dense<0.000000e+00> : vector<8000x128xf32>
    %dot_general3A_17 = tpu.matmul %exp3A, %get3A_15, %dot_general3A_16 {dimension_numbers = #tpu.dot_dimension_numbers<[1], [0], [0], [1], [0, 0, 1, 1], [], []>, transpose_lhs_hint = false} : vector<8000x128xf32>, vector<128x128xf32>, vector<8000x128xf32> -> vector<8000x128xf32>
    %get3A_18 = arith.constant 0 : index
    %get3A_19 = arith.constant 0 : index
    %get3A_20 = vector.load %arg6[%get3A_18, %get3A_19] : memref<128x128xf32, #tpu.memory_space<vmem>>, vector<128x128xf32>
    %dot_general3A_21 = arith.constant dense<0.000000e+00> : vector<8000x128xf32>
    %dot_general3A_22 = tpu.matmul %exp3A, %get3A_20, %dot_general3A_21 {dimension_numbers = #tpu.dot_dimension_numbers<[1], [0], [0], [1], [0, 0, 1, 1], [], []>, transpose_lhs_hint = false} : vector<8000x128xf32>, vector<128x128xf32>, vector<8000x128xf32> -> vector<8000x128xf32>
    %get3A_23 = arith.constant 0 : index
    %get3A_24 = arith.constant 0 : index
    %get3A_25 = vector.load %arg5[%get3A_23, %get3A_24] : memref<32x128xf32, #tpu.memory_space<vmem>>, vector<32x128xf32>
    %dot_general3A_26 = arith.constant dense<0.000000e+00> : vector<8000x128xf32>
    %dot_general3A_27 = tpu.matmul %get3A_4, %get3A_25, %dot_general3A_26 {dimension_numbers = #tpu.dot_dimension_numbers<[1], [0], [0], [1], [0, 0, 1, 1], [], []>, transpose_lhs_hint = false} : vector<8000x32xf32>, vector<32x128xf32>, vector<8000x128xf32> -> vector<8000x128xf32>
    %mul3A_28 = arith.mulf %dot_general3A_17, %dot_general3A_27 : vector<8000x128xf32>
    %div3A = arith.divf %mul3A_28, %dot_general3A_22 : vector<8000x128xf32>
    %swap3A = arith.constant 0 : index
    %swap3A_29 = arith.constant 0 : index
    %swap3A_30 = vector.load %arg7[%swap3A, %swap3A_29] : memref<8000x128xf32, #tpu.memory_space<vmem>>, vector<8000x128xf32>
    tpu.vector_store %arg7[%swap3A, %swap3A_29], %div3A {strides = array<i32>} : memref<8000x128xf32, #tpu.memory_space<vmem>>, vector<8000x128xf32>,
    return
  }
  func.func @transform_0(%arg0: i32) -> (i32, i32) {
    %c0_i32 = arith.constant 0 : i32
    %c0_i32_0 = arith.constant 0 : i32
    return %arg0, %c0_i32 : i32, i32
  }
  func.func @transform_1(%arg0: i32) -> (i32, i32) {
    %c0_i32 = arith.constant 0 : i32
    %c0_i32_0 = arith.constant 0 : i32
    return %arg0, %c0_i32 : i32, i32
  }
  func.func @transform_2(%arg0: i32) -> (i32, i32) {
    %c0_i32 = arith.constant 0 : i32
    %c0_i32_0 = arith.constant 0 : i32
    %c0_i32_1 = arith.constant 0 : i32
    return %c0_i32, %c0_i32_0 : i32, i32
  }
  func.func @transform_3(%arg0: i32) -> (i32, i32) {
    %c0_i32 = arith.constant 0 : i32
    %c0_i32_0 = arith.constant 0 : i32
    %c0_i32_1 = arith.constant 0 : i32
    return %c0_i32, %c0_i32_0 : i32, i32
  }
  func.func @transform_4(%arg0: i32) -> (i32, i32) {
    %c0_i32 = arith.constant 0 : i32
    %c0_i32_0 = arith.constant 0 : i32
    %c0_i32_1 = arith.constant 0 : i32
    return %c0_i32, %c0_i32_0 : i32, i32
  }
  func.func @transform_5(%arg0: i32) -> (i32, i32) {
    %c0_i32 = arith.constant 0 : i32
    %c0_i32_0 = arith.constant 0 : i32
    %c0_i32_1 = arith.constant 0 : i32
    return %c0_i32, %c0_i32_0 : i32, i32
  }
  func.func @transform_6(%arg0: i32) -> (i32, i32) {
    %c0_i32 = arith.constant 0 : i32
    %c0_i32_0 = arith.constant 0 : i32
    return %arg0, %c0_i32 : i32, i32
  }
}

module attributes {stable_mosaic.version = 14 : i64} {
  func.func @_post_mid_body(%arg0: i32, %arg1: memref<2x2000x128xf32, #tpu.memory_space<vmem>>, %arg2: memref<2000x128xf32, #tpu.memory_space<vmem>>, %arg3: memref<1x128xf32, #tpu.memory_space<vmem>>, %arg4: memref<1x128xf32, #tpu.memory_space<vmem>>, %arg5: memref<128x32xf32, #tpu.memory_space<vmem>>, %arg6: memref<2000x32xf32, #tpu.memory_space<vmem>>) attributes {dimension_semantics = [#tpu.dimension_semantics<arbitrary>], iteration_bounds = array<i64: 5>, scalar_prefetch = 0 : i64, scratch_operands = 0 : i64, tpu.core_type = #tpu.core_type<tc>, window_params = [{transform_indices = @transform_0, window_bounds = array<i64: 2, 2000, 128>}, {transform_indices = @transform_1, window_bounds = array<i64: 2000, 128>}, {pipeline_mode = #tpu.pipeline_mode<synchronous>, transform_indices = @transform_2, window_bounds = array<i64: 1, 128>}, {pipeline_mode = #tpu.pipeline_mode<synchronous>, transform_indices = @transform_3, window_bounds = array<i64: 1, 128>}, {pipeline_mode = #tpu.pipeline_mode<synchronous>, transform_indices = @transform_4, window_bounds = array<i64: 128, 32>}, {transform_indices = @transform_5, window_bounds = array<i64: 2000, 32>}]} {
    %get3A = arith.constant 0 : index
    %get3A_0 = arith.constant 0 : index
    %get3A_1 = arith.constant 0 : index
    %get3A_2 = vector.load %arg1[%get3A, %get3A_0, %get3A_1] : memref<2x2000x128xf32, #tpu.memory_space<vmem>>, vector<1x2000x128xf32>
    %get3A_3 = vector.shape_cast %get3A_2 : vector<1x2000x128xf32> to vector<2000x128xf32>
    %get3A_4 = arith.constant 1 : index
    %get3A_5 = arith.constant 0 : index
    %get3A_6 = arith.constant 0 : index
    %get3A_7 = vector.load %arg1[%get3A_4, %get3A_5, %get3A_6] : memref<2x2000x128xf32, #tpu.memory_space<vmem>>, vector<1x2000x128xf32>
    %get3A_8 = vector.shape_cast %get3A_7 : vector<1x2000x128xf32> to vector<2000x128xf32>
    %add3A = arith.addf %get3A_3, %get3A_8 : vector<2000x128xf32>
    %max3A = arith.constant 0.000000e+00 : f32
    %max3A_9 = vector.broadcast %max3A : f32 to vector<2000x128xf32>
    %max3A_10 = arith.maximumf %add3A, %max3A_9 : vector<2000x128xf32>
    %reduce_sum3A = arith.constant dense<0.000000e+00> : vector<2000xf32>
    %reduce_sum3A_11 = vector.multi_reduction <add>, %max3A_10, %reduce_sum3A [1] : vector<2000x128xf32> to vector<2000xf32>
    %broadcast_in_dim3A = vector.shape_cast %reduce_sum3A_11 : vector<2000xf32> to vector<2000x1xf32>
    %div3A = arith.constant 1.280000e+02 : f32
    %div3A_12 = vector.broadcast %div3A : f32 to vector<2000x1xf32>
    %div3A_13 = arith.divf %broadcast_in_dim3A, %div3A_12 : vector<2000x1xf32>
    %sub3A = vector.broadcast %div3A_13 : vector<2000x1xf32> to vector<2000x128xf32>
    %sub3A_14 = arith.subf %max3A_10, %sub3A : vector<2000x128xf32>
    %sub3A_15 = vector.broadcast %div3A_13 : vector<2000x1xf32> to vector<2000x128xf32>
    %sub3A_16 = arith.subf %max3A_10, %sub3A_15 : vector<2000x128xf32>
    %mul3A = arith.mulf %sub3A_14, %sub3A_16 : vector<2000x128xf32>
    %reduce_sum3A_17 = arith.constant dense<0.000000e+00> : vector<2000xf32>
    %reduce_sum3A_18 = vector.multi_reduction <add>, %mul3A, %reduce_sum3A_17 [1] : vector<2000x128xf32> to vector<2000xf32>
    %broadcast_in_dim3A_19 = vector.shape_cast %reduce_sum3A_18 : vector<2000xf32> to vector<2000x1xf32>
    %div3A_20 = arith.constant 1.280000e+02 : f32
    %div3A_21 = vector.broadcast %div3A_20 : f32 to vector<2000x1xf32>
    %div3A_22 = arith.divf %broadcast_in_dim3A_19, %div3A_21 : vector<2000x1xf32>
    %sub3A_23 = vector.broadcast %div3A_13 : vector<2000x1xf32> to vector<2000x128xf32>
    %sub3A_24 = arith.subf %max3A_10, %sub3A_23 : vector<2000x128xf32>
    %add3A_25 = arith.constant 9.99999974E-6 : f32
    %add3A_26 = vector.broadcast %add3A_25 : f32 to vector<2000x1xf32>
    %add3A_27 = arith.addf %div3A_22, %add3A_26 : vector<2000x1xf32>
    %rsqrt3A = math.rsqrt %add3A_27 : vector<2000x1xf32>
    %mul3A_28 = vector.broadcast %rsqrt3A : vector<2000x1xf32> to vector<2000x128xf32>
    %mul3A_29 = arith.mulf %sub3A_24, %mul3A_28 : vector<2000x128xf32>
    %get3A_30 = arith.constant 0 : index
    %get3A_31 = arith.constant 0 : index
    %get3A_32 = vector.load %arg3[%get3A_30, %get3A_31] : memref<1x128xf32, #tpu.memory_space<vmem>>, vector<1x128xf32>
    %mul3A_33 = vector.broadcast %get3A_32 : vector<1x128xf32> to vector<2000x128xf32>
    %mul3A_34 = arith.mulf %mul3A_29, %mul3A_33 : vector<2000x128xf32>
    %get3A_35 = arith.constant 0 : index
    %get3A_36 = arith.constant 0 : index
    %get3A_37 = vector.load %arg4[%get3A_35, %get3A_36] : memref<1x128xf32, #tpu.memory_space<vmem>>, vector<1x128xf32>
    %add3A_38 = vector.broadcast %get3A_37 : vector<1x128xf32> to vector<2000x128xf32>
    %add3A_39 = arith.addf %mul3A_34, %add3A_38 : vector<2000x128xf32>
    %mul3A_40 = arith.constant 0.899999976 : f32
    %mul3A_41 = vector.broadcast %mul3A_40 : f32 to vector<2000x128xf32>
    %mul3A_42 = arith.mulf %mul3A_41, %add3A_39 : vector<2000x128xf32>
    %get3A_43 = arith.constant 0 : index
    %get3A_44 = arith.constant 0 : index
    %get3A_45 = vector.load %arg2[%get3A_43, %get3A_44] : memref<2000x128xf32, #tpu.memory_space<vmem>>, vector<2000x128xf32>
    %mul3A_46 = arith.constant 1.000000e-01 : f32
    %mul3A_47 = vector.broadcast %mul3A_46 : f32 to vector<2000x128xf32>
    %mul3A_48 = arith.mulf %mul3A_47, %get3A_45 : vector<2000x128xf32>
    %add3A_49 = arith.addf %mul3A_42, %mul3A_48 : vector<2000x128xf32>
    %get3A_50 = arith.constant 0 : index
    %get3A_51 = arith.constant 0 : index
    %get3A_52 = vector.load %arg5[%get3A_50, %get3A_51] : memref<128x32xf32, #tpu.memory_space<vmem>>, vector<128x32xf32>
    %dot_general3A = arith.constant dense<0.000000e+00> : vector<2000x32xf32>
    %dot_general3A_53 = tpu.matmul %add3A_49, %get3A_52, %dot_general3A {dimension_numbers = #tpu.dot_dimension_numbers<[1], [0], [0], [1], [0, 0, 1, 1], [], []>, transpose_lhs_hint = false} : vector<2000x128xf32>, vector<128x32xf32>, vector<2000x32xf32> -> vector<2000x32xf32>
    %swap3A = arith.constant 0 : index
    %swap3A_54 = arith.constant 0 : index
    %swap3A_55 = vector.load %arg6[%swap3A, %swap3A_54] : memref<2000x32xf32, #tpu.memory_space<vmem>>, vector<2000x32xf32>
    tpu.vector_store %arg6[%swap3A, %swap3A_54], %dot_general3A_53 {strides = array<i32>} : memref<2000x32xf32, #tpu.memory_space<vmem>>, vector<2000x32xf32>,
    return
  }
  func.func @transform_0(%arg0: i32) -> (i32, i32, i32) {
    %c0_i32 = arith.constant 0 : i32
    %c0_i32_0 = arith.constant 0 : i32
    %c0_i32_1 = arith.constant 0 : i32
    return %c0_i32, %arg0, %c0_i32_0 : i32, i32, i32
  }
  func.func @transform_1(%arg0: i32) -> (i32, i32) {
    %c0_i32 = arith.constant 0 : i32
    %c0_i32_0 = arith.constant 0 : i32
    return %arg0, %c0_i32 : i32, i32
  }
  func.func @transform_2(%arg0: i32) -> (i32, i32) {
    %c0_i32 = arith.constant 0 : i32
    %c0_i32_0 = arith.constant 0 : i32
    %c0_i32_1 = arith.constant 0 : i32
    return %c0_i32, %c0_i32_0 : i32, i32
  }
  func.func @transform_3(%arg0: i32) -> (i32, i32) {
    %c0_i32 = arith.constant 0 : i32
    %c0_i32_0 = arith.constant 0 : i32
    %c0_i32_1 = arith.constant 0 : i32
    return %c0_i32, %c0_i32_0 : i32, i32
  }
  func.func @transform_4(%arg0: i32) -> (i32, i32) {
    %c0_i32 = arith.constant 0 : i32
    %c0_i32_0 = arith.constant 0 : i32
    %c0_i32_1 = arith.constant 0 : i32
    return %c0_i32, %c0_i32_0 : i32, i32
  }
  func.func @transform_5(%arg0: i32) -> (i32, i32) {
    %c0_i32 = arith.constant 0 : i32
    %c0_i32_0 = arith.constant 0 : i32
    return %arg0, %c0_i32 : i32, i32
  }
}

module attributes {stable_mosaic.version = 14 : i64} {
  func.func @_post_final_body(%arg0: i32, %arg1: memref<2x2000x128xf32, #tpu.memory_space<vmem>>, %arg2: memref<2000x128xf32, #tpu.memory_space<vmem>>, %arg3: memref<1x128xf32, #tpu.memory_space<vmem>>, %arg4: memref<1x128xf32, #tpu.memory_space<vmem>>, %arg5: memref<128x128xf32, #tpu.memory_space<vmem>>, %arg6: memref<1x128xf32, #tpu.memory_space<vmem>>, %arg7: memref<2000x128xf32, #tpu.memory_space<vmem>>) attributes {dimension_semantics = [#tpu.dimension_semantics<arbitrary>], iteration_bounds = array<i64: 5>, scalar_prefetch = 0 : i64, scratch_operands = 0 : i64, tpu.core_type = #tpu.core_type<tc>, window_params = [{transform_indices = @transform_0, window_bounds = array<i64: 2, 2000, 128>}, {transform_indices = @transform_1, window_bounds = array<i64: 2000, 128>}, {pipeline_mode = #tpu.pipeline_mode<synchronous>, transform_indices = @transform_2, window_bounds = array<i64: 1, 128>}, {pipeline_mode = #tpu.pipeline_mode<synchronous>, transform_indices = @transform_3, window_bounds = array<i64: 1, 128>}, {pipeline_mode = #tpu.pipeline_mode<synchronous>, transform_indices = @transform_4, window_bounds = array<i64: 128, 128>}, {pipeline_mode = #tpu.pipeline_mode<synchronous>, transform_indices = @transform_5, window_bounds = array<i64: 1, 128>}, {transform_indices = @transform_6, window_bounds = array<i64: 2000, 128>}]} {
    %get3A = arith.constant 0 : index
    %get3A_0 = arith.constant 0 : index
    %get3A_1 = arith.constant 0 : index
    %get3A_2 = vector.load %arg1[%get3A, %get3A_0, %get3A_1] : memref<2x2000x128xf32, #tpu.memory_space<vmem>>, vector<1x2000x128xf32>
    %get3A_3 = vector.shape_cast %get3A_2 : vector<1x2000x128xf32> to vector<2000x128xf32>
    %get3A_4 = arith.constant 1 : index
    %get3A_5 = arith.constant 0 : index
    %get3A_6 = arith.constant 0 : index
    %get3A_7 = vector.load %arg1[%get3A_4, %get3A_5, %get3A_6] : memref<2x2000x128xf32, #tpu.memory_space<vmem>>, vector<1x2000x128xf32>
    %get3A_8 = vector.shape_cast %get3A_7 : vector<1x2000x128xf32> to vector<2000x128xf32>
    %add3A = arith.addf %get3A_3, %get3A_8 : vector<2000x128xf32>
    %max3A = arith.constant 0.000000e+00 : f32
    %max3A_9 = vector.broadcast %max3A : f32 to vector<2000x128xf32>
    %max3A_10 = arith.maximumf %add3A, %max3A_9 : vector<2000x128xf32>
    %reduce_sum3A = arith.constant dense<0.000000e+00> : vector<2000xf32>
    %reduce_sum3A_11 = vector.multi_reduction <add>, %max3A_10, %reduce_sum3A [1] : vector<2000x128xf32> to vector<2000xf32>
    %broadcast_in_dim3A = vector.shape_cast %reduce_sum3A_11 : vector<2000xf32> to vector<2000x1xf32>
    %div3A = arith.constant 1.280000e+02 : f32
    %div3A_12 = vector.broadcast %div3A : f32 to vector<2000x1xf32>
    %div3A_13 = arith.divf %broadcast_in_dim3A, %div3A_12 : vector<2000x1xf32>
    %sub3A = vector.broadcast %div3A_13 : vector<2000x1xf32> to vector<2000x128xf32>
    %sub3A_14 = arith.subf %max3A_10, %sub3A : vector<2000x128xf32>
    %sub3A_15 = vector.broadcast %div3A_13 : vector<2000x1xf32> to vector<2000x128xf32>
    %sub3A_16 = arith.subf %max3A_10, %sub3A_15 : vector<2000x128xf32>
    %mul3A = arith.mulf %sub3A_14, %sub3A_16 : vector<2000x128xf32>
    %reduce_sum3A_17 = arith.constant dense<0.000000e+00> : vector<2000xf32>
    %reduce_sum3A_18 = vector.multi_reduction <add>, %mul3A, %reduce_sum3A_17 [1] : vector<2000x128xf32> to vector<2000xf32>
    %broadcast_in_dim3A_19 = vector.shape_cast %reduce_sum3A_18 : vector<2000xf32> to vector<2000x1xf32>
    %div3A_20 = arith.constant 1.280000e+02 : f32
    %div3A_21 = vector.broadcast %div3A_20 : f32 to vector<2000x1xf32>
    %div3A_22 = arith.divf %broadcast_in_dim3A_19, %div3A_21 : vector<2000x1xf32>
    %sub3A_23 = vector.broadcast %div3A_13 : vector<2000x1xf32> to vector<2000x128xf32>
    %sub3A_24 = arith.subf %max3A_10, %sub3A_23 : vector<2000x128xf32>
    %add3A_25 = arith.constant 9.99999974E-6 : f32
    %add3A_26 = vector.broadcast %add3A_25 : f32 to vector<2000x1xf32>
    %add3A_27 = arith.addf %div3A_22, %add3A_26 : vector<2000x1xf32>
    %rsqrt3A = math.rsqrt %add3A_27 : vector<2000x1xf32>
    %mul3A_28 = vector.broadcast %rsqrt3A : vector<2000x1xf32> to vector<2000x128xf32>
    %mul3A_29 = arith.mulf %sub3A_24, %mul3A_28 : vector<2000x128xf32>
    %get3A_30 = arith.constant 0 : index
    %get3A_31 = arith.constant 0 : index
    %get3A_32 = vector.load %arg3[%get3A_30, %get3A_31] : memref<1x128xf32, #tpu.memory_space<vmem>>, vector<1x128xf32>
    %mul3A_33 = vector.broadcast %get3A_32 : vector<1x128xf32> to vector<2000x128xf32>
    %mul3A_34 = arith.mulf %mul3A_29, %mul3A_33 : vector<2000x128xf32>
    %get3A_35 = arith.constant 0 : index
    %get3A_36 = arith.constant 0 : index
    %get3A_37 = vector.load %arg4[%get3A_35, %get3A_36] : memref<1x128xf32, #tpu.memory_space<vmem>>, vector<1x128xf32>
    %add3A_38 = vector.broadcast %get3A_37 : vector<1x128xf32> to vector<2000x128xf32>
    %add3A_39 = arith.addf %mul3A_34, %add3A_38 : vector<2000x128xf32>
    %mul3A_40 = arith.constant 0.899999976 : f32
    %mul3A_41 = vector.broadcast %mul3A_40 : f32 to vector<2000x128xf32>
    %mul3A_42 = arith.mulf %mul3A_41, %add3A_39 : vector<2000x128xf32>
    %get3A_43 = arith.constant 0 : index
    %get3A_44 = arith.constant 0 : index
    %get3A_45 = vector.load %arg2[%get3A_43, %get3A_44] : memref<2000x128xf32, #tpu.memory_space<vmem>>, vector<2000x128xf32>
    %mul3A_46 = arith.constant 1.000000e-01 : f32
    %mul3A_47 = vector.broadcast %mul3A_46 : f32 to vector<2000x128xf32>
    %mul3A_48 = arith.mulf %mul3A_47, %get3A_45 : vector<2000x128xf32>
    %add3A_49 = arith.addf %mul3A_42, %mul3A_48 : vector<2000x128xf32>
    %get3A_50 = arith.constant 0 : index
    %get3A_51 = arith.constant 0 : index
    %get3A_52 = vector.load %arg5[%get3A_50, %get3A_51] : memref<128x128xf32, #tpu.memory_space<vmem>>, vector<128x128xf32>
    %dot_general3A = arith.constant dense<0.000000e+00> : vector<2000x128xf32>
    %dot_general3A_53 = tpu.matmul %add3A_49, %get3A_52, %dot_general3A {dimension_numbers = #tpu.dot_dimension_numbers<[1], [0], [0], [1], [0, 0, 1, 1], [], []>, transpose_lhs_hint = false} : vector<2000x128xf32>, vector<128x128xf32>, vector<2000x128xf32> -> vector<2000x128xf32>
    %get3A_54 = arith.constant 0 : index
    %get3A_55 = arith.constant 0 : index
    %get3A_56 = vector.load %arg6[%get3A_54, %get3A_55] : memref<1x128xf32, #tpu.memory_space<vmem>>, vector<1x128xf32>
    %add3A_57 = vector.broadcast %get3A_56 : vector<1x128xf32> to vector<2000x128xf32>
    %add3A_58 = arith.addf %dot_general3A_53, %add3A_57 : vector<2000x128xf32>
    %swap3A = arith.constant 0 : index
    %swap3A_59 = arith.constant 0 : index
    %swap3A_60 = vector.load %arg7[%swap3A, %swap3A_59] : memref<2000x128xf32, #tpu.memory_space<vmem>>, vector<2000x128xf32>
    tpu.vector_store %arg7[%swap3A, %swap3A_59], %add3A_58 {strides = array<i32>} : memref<2000x128xf32, #tpu.memory_space<vmem>>, vector<2000x128xf32>,
    return
  }
  func.func @transform_0(%arg0: i32) -> (i32, i32, i32) {
    %c0_i32 = arith.constant 0 : i32
    %c0_i32_0 = arith.constant 0 : i32
    %c0_i32_1 = arith.constant 0 : i32
    return %c0_i32, %arg0, %c0_i32_0 : i32, i32, i32
  }
  func.func @transform_1(%arg0: i32) -> (i32, i32) {
    %c0_i32 = arith.constant 0 : i32
    %c0_i32_0 = arith.constant 0 : i32
    return %arg0, %c0_i32 : i32, i32
  }
  func.func @transform_2(%arg0: i32) -> (i32, i32) {
    %c0_i32 = arith.constant 0 : i32
    %c0_i32_0 = arith.constant 0 : i32
    %c0_i32_1 = arith.constant 0 : i32
    return %c0_i32, %c0_i32_0 : i32, i32
  }
  func.func @transform_3(%arg0: i32) -> (i32, i32) {
    %c0_i32 = arith.constant 0 : i32
    %c0_i32_0 = arith.constant 0 : i32
    %c0_i32_1 = arith.constant 0 : i32
    return %c0_i32, %c0_i32_0 : i32, i32
  }
  func.func @transform_4(%arg0: i32) -> (i32, i32) {
    %c0_i32 = arith.constant 0 : i32
    %c0_i32_0 = arith.constant 0 : i32
    %c0_i32_1 = arith.constant 0 : i32
    return %c0_i32, %c0_i32_0 : i32, i32
  }
  func.func @transform_5(%arg0: i32) -> (i32, i32) {
    %c0_i32 = arith.constant 0 : i32
    %c0_i32_0 = arith.constant 0 : i32
    %c0_i32_1 = arith.constant 0 : i32
    return %c0_i32, %c0_i32_0 : i32, i32
  }
  func.func @transform_6(%arg0: i32) -> (i32, i32) {
    %c0_i32 = arith.constant 0 : i32
    %c0_i32_0 = arith.constant 0 : i32
    return %arg0, %c0_i32 : i32, i32
  }
}

</mosaic_0001>

<sc_bundles>
// kernel: kernel.11.cloned.1.call-start
scs
__scs_entry_jumppad:
0x0: {  	(pc) =	sbr.rel $0x88, $3  }
0x1: {  	(tag) =	ssettag $0x0;
	lr =	simm.s32 $0x1  }
0x2: {  	[smem:$0x3F91] =	sst lr;
	_ =	strace $0xD0000000  }
0x3: {  	_ = 	snop  }
0x4: {  	_ = 	snop  }
0x5: {  	_ = 	snop  }
0x6: {  	_ = 	snop  }
0x7: {  	_ = 	snop  }
__scs_overlays_trampoline_lowered:
0x8: {  	[smem:$0x3FA0] =	sst s0  }
0x9: {  	[smem:$0x3FA1] =	sst s1  }
0xa: {  	[smem:$0x3FA2] =	sst s2  }
0xb: {  	[smem:$0x3FA3] =	sst s3  }
0xc: {  	[smem:$0x3FA4] =	sst s4  }
0xd: {  	[smem:$0x3FA5] =	sst s5  }
0xe: {  	[smem:$0x3FA6] =	sst s6  }
0xf: {  	[smem:$0x3FA7] =	sst s7  }
0x10: {  	[smem:$0x3FA8] =	sst s8  }
0x11: {  	[smem:$0x3FA9] =	sst s9;
	s0 =	simm.s32 @!p0 $0x0  }
0x12: {  	s1 =	sld [smem:$0x3F8F];
	s0 =	simm.s32 @p0 $0x1  }
0x13: {  	[smem:$0x3FAA] =	sst s0;
	s0 =	simm.s32 @!p1 $0x0  }
0x14: {  	s2 =	sld [smem:$0x3F8E];
	s0 =	simm.s32 @p1 $0x1  }
0x15: {  	[smem:$0x3FAB] =	sst s0;
	s0 =	simm.s32 @!p2 $0x0  }
0x16: {  	s3 =	sld [smem:$0x3FDB];
	s0 =	simm.s32 @p2 $0x1  }
0x17: {  	s4 =	simm.s32 $0x1BF5;
	[smem:$0x3FAD] =	sst s0  }
0x18: {  	s0 =	sld [smem:$0x3F90];
	_ =	swait.ge [sflag:s4], $0x0  }
0x19: {  	s7 =	sld [smem:$0x3F91]  }
0x1a: {  	s8 =	sadd.s32 $0xFFFFE003, lr  }
0x1b: {  	s9 =	sadd.s32 $0xFFFFFEF7, lr;
	s5 =	simm.s32 $0xFFFFFFFF;
	p2 =	slt.u32 s8, $0xFFFFF086  }
0x1c: {  	p1 =	slt.u32 s9, $0xF7A;
	s5 =	simm.s32 @!p2 $0x0  }
0x1d: {  	s5 =	simm.s32 @p1 $0x1;
	p0 =	seq.s32 s7, s2  }
0x1e: {  	s7 =	smul.u32 @!p0 $0xF7A, s2;
	p2 =	seq.s32 @!p0 s5, $0x0  }
0x1f: {  	s9 =	smul.u32 $0xF7A, s1;
	s8 =	simm.s32 @!p0 $0x1BF5;
	p2 =	por !p2, p0  }
0x20: {  	[sflag:s8] =	ssyncset.s32 @!p0 $0xFFFFF086;
	s6 =	sadd.s32 @!p0 s3, s7;
	s7 =	simm.s32 @!p0 $0x108  }
0x21: {  	s3 =	sadd.s32 s3, s9;
	s6 =	sadd.s32 @!p0 $0x88, s6;
	s7 =	simm.s32 @p2 $0x1082  }
0x22: {  	[simem:s7], [sflag:s8] =	dma.local @!p0 [hbm:s6], $0xF7A  }
0x23: {  	s9 =	sor.u32 $0xD0000000, s2;
	s6 =	simm.s32 $0x108;
	_ =	swait.ge @!p0 [sflag:s8], $0x0  }
0x24: {  	s3 =	sadd.s32 $0x88, s3;
	s6 =	simm.s32 @!p1 $0x1082;
	[sflag:s4] =	ssyncset.s32 $0xFFFFF086  }
0x25: {  	[simem:s6], [sflag:s4] =	dma.local [hbm:s3], $0xF7A  }
0x26: {  	[smem:$0x3F91] =	sst s1;
	(tag) =	ssettag s2;
	_ =	strace s9  }
0x27: {  	s1 =	sld [smem:$0x3FA1]  }
0x28: {  	s2 =	sld [smem:$0x3FA2]  }
0x29: {  	s4 =	sld [smem:$0x3FA4]  }
0x2a: {  	p0 =	seq.s32 s5, $0x0;
	s5 =	sld [smem:$0x3FA5]  }
0x2b: {  	s6 =	sld [smem:$0x3FA6]  }
0x2c: {  	s7 =	sld [smem:$0x3FA7]  }
0x2d: {  	s3 =	simm.s32 $0x108;
	s8 =	sld [smem:$0x3FA8]  }
0x2e: {  	s3 =	simm.s32 @!p0 $0x1082;
	s9 =	sld [smem:$0x3FA9]  }
0x2f: {  	lr =	sadd.s32 s0, s3;
	s0 =	sld [smem:$0x3FA0]  }
0x30: {  	s3 =	sld [smem:$0x3FA3]  }
0x31: {  	[smem:$0x3FAC] =	sst s10  }
0x32: {  	s10 =	sld [smem:$0x3FAA];
	_ =	sdelay $0x3  }
0x33: {  	p0 =	seq.s32 s10, $0x1;
	s10 =	sld [smem:$0x3FAC];
	_ =	sdelay $0x3  }
0x34: {  	[smem:$0x3FAC] =	sst s10  }
0x35: {  	s10 =	sld [smem:$0x3FAB];
	_ =	sdelay $0x3  }
0x36: {  	p1 =	seq.s32 s10, $0x1;
	s10 =	sld [smem:$0x3FAC];
	_ =	sdelay $0x3  }
0x37: {  	[smem:$0x3FAC] =	sst s10  }
0x38: {  	s10 =	sld [smem:$0x3FAD]  }
0x39: {  	_ = 	snop;
	(pc) =	sbr.ind lr, $3  }
0x3a: {  	_ = 	snop  }
0x3b: {  	_ = 	snop  }
0x3c: {  	p2 =	seq.s32 s10, $0x1;
	s10 =	sld [smem:$0x3FAC]  }
0x3d: {  	_ =	shalt  }
0x3e: {  	_ =	shalt  }
0x3f: {  	_ =	shalt  }
0x40: {  	_ =	shalt  }
0x41: {  	_ =	shalt  }
0x42: {  	_ =	shalt  }
0x43: {  	_ =	shalt  }
0x44: {  	_ =	shalt  }
0x45: {  	_ =	shalt  }
0x46: {  	_ =	shalt  }
0x47: {  	_ =	shalt  }
0x48: {  	_ =	shalt  }
0x49: {  	_ =	shalt  }
0x4a: {  	_ =	shalt  }
0x4b: {  	_ =	shalt  }
0x4c: {  	_ =	shalt  }
0x4d: {  	_ =	shalt  }
0x4e: {  	_ =	shalt  }
0x4f: {  	_ =	shalt  }
0x50: {  	_ =	shalt  }
0x51: {  	_ =	shalt  }
0x52: {  	_ =	shalt  }
0x53: {  	_ =	shalt  }
0x54: {  	_ =	shalt  }
0x55: {  	_ =	shalt  }
0x56: {  	_ =	shalt  }
0x57: {  	_ =	shalt  }
0x58: {  	_ =	shalt  }
0x59: {  	_ =	shalt  }
0x5a: {  	_ =	shalt  }
0x5b: {  	_ =	shalt  }
0x5c: {  	_ =	shalt  }
0x5d: {  	_ =	shalt  }
0x5e: {  	_ =	shalt  }
0x5f: {  	_ =	shalt  }
0x60: {  	_ =	shalt  }
0x61: {  	_ =	shalt  }
0x62: {  	_ =	shalt  }
0x63: {  	_ =	shalt  }
0x64: {  	_ =	shalt  }
0x65: {  	_ =	shalt  }
0x66: {  	_ =	shalt  }
0x67: {  	_ =	shalt  }
0x68: {  	_ =	shalt  }
0x69: {  	_ =	shalt  }
0x6a: {  	_ =	shalt  }
0x6b: {  	_ =	shalt  }
0x6c: {  	_ =	shalt  }
0x6d: {  	_ =	shalt  }
0x6e: {  	_ =	shalt  }
0x6f: {  	_ =	shalt  }
0x70: {  	_ =	shalt  }
0x71: {  	_ =	shalt  }
0x72: {  	_ =	shalt  }
0x73: {  	_ =	shalt  }
0x74: {  	_ =	shalt  }
0x75: {  	_ =	shalt  }
0x76: {  	_ =	shalt  }
0x77: {  	_ =	shalt  }
0x78: {  	_ =	shalt  }
0x79: {  	_ =	shalt  }
0x7a: {  	_ =	shalt  }
0x7b: {  	_ =	shalt  }
0x7c: {  	_ =	shalt  }
0x7d: {  	_ =	shalt  }
0x7e: {  	_ =	shalt  }
0x7f: {  	_ =	shalt  }
0x80: {  	_ =	shalt  }
0x81: {  	_ =	shalt  }
0x82: {  	_ =	shalt  }
0x83: {  	_ =	shalt  }
0x84: {  	_ =	shalt  }
0x85: {  	_ =	shalt  }
0x86: {  	_ =	shalt  }
0x87: {  	_ =	shalt  }
.Lfunc_end0:
.L_simem_size_0:
called_computation_lowered:
.L_overlay_start_0:
0x88: {  	s2 =	sld [smem:$0x3FD9]  }
0x89: {  	s3 =	sld [smem:$0x3FFE];
	_ =	sdelay $0x1  }
0x8a: {  	s1 =	srdreg.scid  }
0x8b: {  	s0 =	sand.u32 $0x1, s1  }
0x8c: {  	s16 =	sshll.u32 s0, $0xA;
	s2 =	sadd.s32 s3, s2  }
0x8d: {  	s2 =	sadd.s32 s2, s16  }
0x8e: {  	[smem:$0x3FB8] =	sst s2  }
0x8f: {  	_ = 	snop  }
0x90: {  	(tm) =	ssettm $0x1  }
0x91: {  	s17 =	sld [smem:$0x3FFB];
	_ =	sdelay $0x3  }
0x92: {  	_ =	strace s17  }
0x93: {  	s2 =	sld [smem:$0x3FFC];
	_ =	sdelay $0x3  }
0x94: {  	_ =	strace s2  }
0x95: {  	s2 =	sld [smem:$0x3FFD];
	_ =	sdelay $0x3  }
0x96: {  	_ =	strace s2  }
0x97: {  	_ =	strace $0x8FFFFFFF  }
0x98: {  	s18 =	sld [smem:$0x3FDB];
	_ =	sdelay $0x1  }
0x99: {  	s19 =	simm.s32 $_scs_section_size  }
0x9a: {  	s4 =	simm.s32 $_size__tile_overlayer_lowered;
	s5 =	simm.s32 $_tile_overlayer_lowered  }
0x9b: {  	s22 =	simm.s32 $0x1BFF;
	s21 =	sshll.u32 s5, $0x1;
	s2 =	sadd.s32 s19, s18  }
0x9c: {  	s6 =	simm.s32 $0x0;
	s20 =	sshll.u32 s4, $0x1;
	s4 =	sadd.s32 s21, s2  }
0x9d: {  	[timem:s6], [sflag:s22] =	dma.local [hbm:s4], s20  }
0x9e: {  	_ =	swait.ge [sflag:s22], s20  }
0x9f: {  	s3 =	ssub.s32 $0x0, s20;
	[sflag:s22] =	ssyncset.done $0x0  }
0xa0: {  	[sflag:s22] =	ssyncadd.s32 s3;
	_ =	sdelay $0x1  }
0xa1: {  	s23 =	simm.s32 $0x1B8B  }
0xa2: {  	_ =	swait.ge [sflag:s23], $0x1  }
0xa3: {  	[sflag:s23] =	ssyncset.done $0x0  }
0xa4: {  	s25 =	simm.s32 $0x1B8E;
	s24 =	sld [smem:$0x3FFE];
	[sflag:s23] =	ssyncadd.s32 $0xFFFFFFFF  }
0xa5: {  	s26 =	simm.s32 $execute0_lowered;
	[smem:$0x3FD2] =	sst s25  }
0xa6: {  	s4 =	sshll.u32 s26, $0x1;
	_ =	strace $0x80000046;
	[dreg:$0x1] =	wrdreg $0xFFFFFFFF  }
0xa7: {  	s28 =	simm.s32 $_size_execute0_lowered;
	s2 =	sadd.s32 s2, s4;
	[dreg:$0x0] =	wrdreg $0x0  }
0xa8: {  	s4 =	sshll.u32 s28, $0x1;
	[dreg:$0x2] =	wrdreg s2  }
0xa9: {  	[dreg:$0x3] =	wrdreg s4  }
0xaa: {  	[dreg:$0x4] =	wrdreg $0xC0  }
0xab: {  	_ =	task [dreg:s6], $0x5FFFF  }
0xac: {  	[dreg:$0x1] =	wrdreg $0xFFFFFFFF  }
0xad: {  	[dreg:$0x0] =	wrdreg $0x60  }
0xae: {  	[dreg:$0x2] =	wrdreg s24  }
0xaf: {  	[dreg:$0x3] =	wrdreg $0x9  }
0xb0: {  	_ =	task.clear_ibuf [dreg:s6], $0x4FFFF;
	_ =	strace $0x90000046  }
0xb1: {  	s29 =	simm.s32 $0x9;
	_ =	strace $0x80000048  }
0xb2: {  	_ =	swait.ge [sflag:s29], $0x1  }
0xb3: {  	[sflag:s29] =	ssyncadd.s32 $0xFFFFFFFF  }
0xb4: {  	_ =	strace $0x90000048  }
0xb5: {  	_ =	sfence  }
0xb6: {  	s30 =	sld [smem:$0x0];
	_ =	sdelay $0x2  }
0xb7: {  	s31 =	sshll.u32 s1, $0xD;
	s1 =	sshrl.u32 s1, $0x2  }
0xb8: {  	s3 =	sand.u32 $0x4000, s31;
	s1 =	sadd.s32 s1, s30  }
0xb9: {  	s0 =	sor.u32 s3, s0;
	s1 =	sshll.u32 s1, $0x11  }
0xba: {  	s0 =	sor.u32 s1, s0  }
0xbb: {  	s0 =	sadd.s32 $0x8F2B, s0  }
0xbc: {  	[sflag:s0] =	ssyncadd.remote.s32 $0x1  }
0xbd: {  	_ =	sfence.sel $0xFFFF  }
0xbe: {  	[dreg:$0x0] =	wrdreg $0xFFFFFFFF;
	(pc) =	sbr.abs _section_cstart, $3  }
0xbf: {  	[dreg:$0x1] =	wrdreg $0xFFFFFFFF  }
0xc0: {  	_ =	task.clear_ibuf [dreg:s6], $0x2FFFF;
	_ =	strace $0x9FFFFFFF  }
0xc1: {  	(tm) =	ssettm $0x7FFFFFFF  }
tec
execute0_lowered:
.L_overlay_start_1:
0x0: {  	(tag) =	ssettag $0x1  }
0x1: {  	s4 =	rddreg [dreg:$0x0]  }
0x2: {  	s0 =	rddreg [dreg:$0x1];
	s3 =	srdreg.scid  }
0x3: {  	s1 =	stileid.u32;
	s2 =	simm.s32 $0x0;
	s11 =	simm.s32 $0x7D0  }
0x4: {  	s12 =	simm.s32 $0x84D0;
	s13 =	simm.s32 $0x1;
	s6 =	smul.u32 $0x4E20, s1  }
0x5: {  	s14 =	simm.s32 $0x2;
	s5 =	sand.u32 $0x1, s3;
	s8 =	smul.u32 $0x13880, s1  }
0x6: {  	s15 =	simm.s32 $0x0;
	[smem:$0x7FF] =	sst s2;
	s7 =	smul.u32 $0x2710, s5  }
0x7: {  	s3 =	sadd.s32 $0x18600, s4;
	s29 =	ssub.s32 $0x2, s5;
	s5 =	smul.u32 $0x9C40, s5  }
0x8: {  	_ =	strace $0x80000047;
	s8 =	sadd.s32 s8, s4;
	s9 =	sshrl.u32 s29, $0x1  }
0x9: {  	s6 =	sadd.s32 s7, s6;
	s30 =	ssub.s32 s29, s9;
	s31 =	sadd.s32 s5, s8  }
0xa: {  	s9 =	simm.s32 $0x3;
	s6 =	sshrl.u32 s6, $0x3;
	s5 =	sadd.s32 $0x22400, s31  }
0xb: {  	s10 =	sadd.s32 s6, s4;
	s4 =	smax.u32 s30, $0x1;
	s6 =	sadd.s32 $0x15AC00, s31  }
0xc: {  	s7 =	sadd.s32 $0x4A00, s10;
	s8 =	sadd.s32 $0xE800, s10;
	s10 =	simm.s32 $0x3E8  }
.LBB2_1:
0xd: {  	s16 =	sadd.s32 $0x0, s8  }
0xe: {  	[tilespmem:s2], [sflag:$0x3] =	stream.linear.gather [hbm4b:s16+s2], $0x3E8, $0x38;
	[tilespmem:$0x101D0] =	vst v63  }
0xf: {  	_ =	swait.ge [sflag:s9], $0x3E8  }
0x10: {  	[sflag:s9] =	ssyncset.done $0x0  }
0x11: {  	s31 =	sadd.s32 $0x0, s7;
	[sflag:s9] =	ssyncadd.s32 $0xFFFFFC18  }
0x12: {  	[tilespmem:s10], [sflag:$0x3] =	stream.linear.gather [hbm4b:s31+s2], $0x3E8, $0x38;
	[tilespmem:$0x101D0] =	vst v63  }
0x13: {  	_ =	swait.ge [sflag:s9], $0x3E8  }
0x14: {  	[sflag:s9] =	ssyncset.done $0x0  }
0x15: {  	[sflag:s9] =	ssyncadd.s32 $0xFFFFFC18  }
0x16: {  	[tilespmem:s11], [sflag:$0x1] =	stream.indirect.gather [hbm4b:s3+s10], $0x20, s2, s10, $0xb8;
	[tilespmem:$0x101D0] =	vst v63  }
0x17: {  	_ = 	snop  }
0x18: {  	[tilespmem:s12], [sflag:$0x2] =	stream.indirect.gather [hbm4b:s3+s10], $0x20, s10, s10, $0xb8;
	[tilespmem:$0x101D0] =	vst v63  }
0x19: {  	_ =	swait.ge [sflag:s13], $0x7D00  }
0x1a: {  	[sflag:s13] =	ssyncset.done $0x0  }
0x1b: {  	[sflag:s13] =	ssyncadd.s32 $0xFFFF8300  }
0x1c: {  	_ =	swait.ge [sflag:s14], $0x7D00  }
0x1d: {  	[sflag:s14] =	ssyncset.done $0x0  }
0x1e: {  	[sflag:s14] =	ssyncadd.s32 $0xFFFF8300  }
0x1f: {  	[hbm4b:s6+s2] =	stream.linear.scatter [tilespmem:s11], [sflag:$0x3], $0x7D00, $0x38;
	[tilespmem:$0x101D0] =	vst v63  }
0x20: {  	_ =	swait.ge [sflag:s9], $0x7D00  }
0x21: {  	[sflag:s9] =	ssyncset.done $0x0  }
0x22: {  	[sflag:s9] =	ssyncadd.s32 $0xFFFF8300  }
0x23: {  	[hbm4b:s5+s2] =	stream.linear.scatter [tilespmem:s12], [sflag:$0x3], $0x7D00, $0x38;
	[tilespmem:$0x101D0] =	vst v63  }
0x24: {  	s18 =	simm.s32 $0x7D;
	s19 =	simm.s32 $0xFA;
	_ =	swait.ge [sflag:s9], $0x7D00  }
0x25: {  	s17 =	sadd.s32 $0xFA0, s6;
	s16 =	sadd.s32 $0xFA0, s5;
	[sflag:s9] =	ssyncset.done $0x0  }
.LBB2_2:
0x26: {  	s20 =	sadd.s32 s18, s8  }
0x27: {  	[sflag:s9] =	ssyncadd.s32 $0xFFFF8300;
	s21 =	smov.u32 s19;
	s22 =	sadd.s32 $0x7D, s19  }
0x28: {  	[tilespmem:s2], [sflag:$0x3] =	stream.linear.gather [hbm4b:s20+s2], $0x3E8, $0x38;
	[tilespmem:$0x101D0] =	vst v63  }
0x29: {  	p0 =	sne.s32 s19, $0x465;
	_ =	swait.ge [sflag:s9], $0x3E8  }
0x2a: {  	[sflag:s9] =	ssyncset.done $0x0  }
0x2b: {  	s19 =	sadd.s32 s18, s7;
	s18 =	smov.u32 s21;
	[sflag:s9] =	ssyncadd.s32 $0xFFFFFC18  }
0x2c: {  	[tilespmem:s10], [sflag:$0x3] =	stream.linear.gather [hbm4b:s19+s2], $0x3E8, $0x38;
	[tilespmem:$0x101D0] =	vst v63  }
0x2d: {  	_ =	swait.ge [sflag:s9], $0x3E8  }
0x2e: {  	[sflag:s9] =	ssyncset.done $0x0  }
0x2f: {  	[sflag:s9] =	ssyncadd.s32 $0xFFFFFC18  }
0x30: {  	[tilespmem:s11], [sflag:$0x1] =	stream.indirect.gather [hbm4b:s3+s10], $0x20, s2, s10, $0xb8;
	[tilespmem:$0x101D0] =	vst v63  }
0x31: {  	_ = 	snop  }
0x32: {  	[tilespmem:s12], [sflag:$0x2] =	stream.indirect.gather [hbm4b:s3+s10], $0x20, s10, s10, $0xb8;
	[tilespmem:$0x101D0] =	vst v63  }
0x33: {  	_ =	swait.ge [sflag:s13], $0x7D00  }
0x34: {  	[sflag:s13] =	ssyncset.done $0x0  }
0x35: {  	[sflag:s13] =	ssyncadd.s32 $0xFFFF8300  }
0x36: {  	_ =	swait.ge [sflag:s14], $0x7D00  }
0x37: {  	[sflag:s14] =	ssyncset.done $0x0  }
0x38: {  	[sflag:s14] =	ssyncadd.s32 $0xFFFF8300  }
0x39: {  	[hbm4b:s17+s2] =	stream.linear.scatter [tilespmem:s11], [sflag:$0x3], $0x7D00, $0x38;
	[tilespmem:$0x101D0] =	vst v63  }
0x3a: {  	_ =	swait.ge [sflag:s9], $0x7D00  }
.Ltmp0:
0x3b: {  	[sflag:s9] =	ssyncset.done $0x0;
	(pc) =	sbr.rel @p0 .LBB2_2-.Ltmp0, $4  }
0x3c: {  	[sflag:s9] =	ssyncadd.s32 $0xFFFF8300  }
0x3d: {  	[hbm4b:s16+s2] =	stream.linear.scatter [tilespmem:s12], [sflag:$0x3], $0x7D00, $0x38;
	[tilespmem:$0x101D0] =	vst v63  }
0x3e: {  	s19 =	smov.u32 s22;
	_ =	swait.ge [sflag:s9], $0x7D00  }
0x3f: {  	s17 =	sadd.s32 $0xFA0, s17;
	s16 =	sadd.s32 $0xFA0, s16;
	[sflag:s9] =	ssyncset.done $0x0  }
0x40: {  	s19 =	sadd.s32 s18, s8;
	[sflag:s9] =	ssyncadd.s32 $0xFFFF8300  }
0x41: {  	[tilespmem:s2], [sflag:$0x3] =	stream.linear.gather [hbm4b:s19+s2], $0x3E8, $0x38;
	[tilespmem:$0x101D0] =	vst v63  }
0x42: {  	_ =	swait.ge [sflag:s9], $0x3E8  }
0x43: {  	[sflag:s9] =	ssyncset.done $0x0  }
0x44: {  	s31 =	sadd.s32 s18, s7;
	[sflag:s9] =	ssyncadd.s32 $0xFFFFFC18  }
0x45: {  	[tilespmem:s10], [sflag:$0x3] =	stream.linear.gather [hbm4b:s31+s2], $0x3E8, $0x38;
	[tilespmem:$0x101D0] =	vst v63  }
0x46: {  	_ =	swait.ge [sflag:s9], $0x3E8  }
0x47: {  	[sflag:s9] =	ssyncset.done $0x0  }
0x48: {  	[sflag:s9] =	ssyncadd.s32 $0xFFFFFC18  }
0x49: {  	[tilespmem:s11], [sflag:$0x1] =	stream.indirect.gather [hbm4b:s3+s10], $0x20, s2, s10, $0xb8;
	[tilespmem:$0x101D0] =	vst v63  }
0x4a: {  	_ = 	snop  }
0x4b: {  	[tilespmem:s12], [sflag:$0x2] =	stream.indirect.gather [hbm4b:s3+s10], $0x20, s10, s10, $0xb8;
	[tilespmem:$0x101D0] =	vst v63  }
0x4c: {  	_ =	swait.ge [sflag:s13], $0x7D00  }
0x4d: {  	[sflag:s13] =	ssyncset.done $0x0  }
0x4e: {  	[sflag:s13] =	ssyncadd.s32 $0xFFFF8300  }
0x4f: {  	_ =	swait.ge [sflag:s14], $0x7D00  }
0x50: {  	[sflag:s14] =	ssyncset.done $0x0  }
0x51: {  	[sflag:s14] =	ssyncadd.s32 $0xFFFF8300  }
0x52: {  	[hbm4b:s17+s2] =	stream.linear.scatter [tilespmem:s11], [sflag:$0x3], $0x7D00, $0x38;
	[tilespmem:$0x101D0] =	vst v63  }
0x53: {  	s15 =	sadd.s32 $0x1, s15;
	_ =	swait.ge [sflag:s9], $0x7D00  }
0x54: {  	p0 =	sne.s32 s15, s4;
	[sflag:s9] =	ssyncset.done $0x0  }
.Ltmp1:
0x55: {  	[sflag:s9] =	ssyncadd.s32 $0xFFFF8300;
	(pc) =	sbr.rel @p0 .LBB2_1-.Ltmp1, $4  }
0x56: {  	[hbm4b:s16+s2] =	stream.linear.scatter [tilespmem:s12], [sflag:$0x3], $0x7D00, $0x38;
	[tilespmem:$0x101D0] =	vst v63  }
0x57: {  	_ =	swait.ge [sflag:s9], $0x7D00  }
0x58: {  	[sflag:s9] =	ssyncset.done $0x0  }
0x59: {  	[sflag:s9] =	ssyncadd.s32 $0xFFFF8300  }
0x5a: {  	_ =	sfence.sel $0x180000  }
0x5b: {  	[bflag:$0x0] =	sbarrier.arrive $0xFFFF  }
0x5c: {  	p0 =	sne.s32 s1, $0x0;
	_ =	strace $0x90000047  }
0x5d: {  	s0 =	sadd.s32 @!p0 $0x100000, s0;
	[bflag:$0x2] =	sbarrier.arrive $0xFFFF  }
0x5e: {  	[sflag:s0] =	ssyncadd.tile.s32 @!p0 $0x1;
	_ =	shalt  }
.Lfunc_end2:
_tile_overlayer_lowered:
.L_overlay_start_2:
0x5f: {  	(tag) =	ssettag $0x2  }
0x60: {  	s0 =	rddreg [dreg:$0x0];
	s2 =	stileid.u32  }
0x61: {  	s1 =	rddreg [dreg:$0x1];
	p0 =	sne.s32 s2, $0x0  }
0x62: {  	s3 =	rddreg [dreg:$0x2];
	[bflag:$0x3] =	sbarrier.arrive $0xFFFF;
	s2 =	simm.s32 @!p0 $0x1C03  }
0x63: {  	[timem:s3], [sflag:s2] =	dma.local @!p0 [hbm:s0], s1  }
0x64: {  	s0 =	simm.s32 @!p0 $0x3  }
0x65: {  	_ =	swait.ge @!p0 [sflag:s0], s1  }
0x66: {  	s1 =	ssub.s32 @!p0 $0x0, s1;
	[sflag:s0] =	ssyncset.done @!p0 $0x0  }
0x67: {  	[sflag:s0] =	ssyncadd.s32 @!p0 s1  }
0x68: {  	[bflag:$0x3] =	sbarrier.arrive $0xFFFF  }
0x69: {  	_ =	shalt  }

// kernel: kernel.14.cloned.1.call-start
scs
__scs_entry_jumppad:
0x0: {  	(pc) =	sbr.rel $0x88, $3  }
0x1: {  	(tag) =	ssettag $0x0;
	lr =	simm.s32 $0x1  }
0x2: {  	[smem:$0x3F91] =	sst lr;
	_ =	strace $0xD0000000  }
0x3: {  	_ = 	snop  }
0x4: {  	_ = 	snop  }
0x5: {  	_ = 	snop  }
0x6: {  	_ = 	snop  }
0x7: {  	_ = 	snop  }
__scs_overlays_trampoline_lowered:
0x8: {  	[smem:$0x3FA0] =	sst s0  }
0x9: {  	[smem:$0x3FA1] =	sst s1  }
0xa: {  	[smem:$0x3FA2] =	sst s2  }
0xb: {  	[smem:$0x3FA3] =	sst s3  }
0xc: {  	[smem:$0x3FA4] =	sst s4  }
0xd: {  	[smem:$0x3FA5] =	sst s5  }
0xe: {  	[smem:$0x3FA6] =	sst s6  }
0xf: {  	[smem:$0x3FA7] =	sst s7  }
0x10: {  	[smem:$0x3FA8] =	sst s8  }
0x11: {  	[smem:$0x3FA9] =	sst s9;
	s0 =	simm.s32 @!p0 $0x0  }
0x12: {  	s1 =	sld [smem:$0x3F8F];
	s0 =	simm.s32 @p0 $0x1  }
0x13: {  	[smem:$0x3FAA] =	sst s0;
	s0 =	simm.s32 @!p1 $0x0  }
0x14: {  	s2 =	sld [smem:$0x3F8E];
	s0 =	simm.s32 @p1 $0x1  }
0x15: {  	[smem:$0x3FAB] =	sst s0;
	s0 =	simm.s32 @!p2 $0x0  }
0x16: {  	s3 =	sld [smem:$0x3FDB];
	s0 =	simm.s32 @p2 $0x1  }
0x17: {  	s4 =	simm.s32 $0x1BF5;
	[smem:$0x3FAD] =	sst s0  }
0x18: {  	s0 =	sld [smem:$0x3F90];
	_ =	swait.ge [sflag:s4], $0x0  }
0x19: {  	s7 =	sld [smem:$0x3F91]  }
0x1a: {  	s8 =	sadd.s32 $0xFFFFE003, lr  }
0x1b: {  	s9 =	sadd.s32 $0xFFFFFEF7, lr;
	s5 =	simm.s32 $0xFFFFFFFF;
	p2 =	slt.u32 s8, $0xFFFFF086  }
0x1c: {  	p1 =	slt.u32 s9, $0xF7A;
	s5 =	simm.s32 @!p2 $0x0  }
0x1d: {  	s5 =	simm.s32 @p1 $0x1;
	p0 =	seq.s32 s7, s2  }
0x1e: {  	s7 =	smul.u32 @!p0 $0xF7A, s2;
	p2 =	seq.s32 @!p0 s5, $0x0  }
0x1f: {  	s9 =	smul.u32 $0xF7A, s1;
	s8 =	simm.s32 @!p0 $0x1BF5;
	p2 =	por !p2, p0  }
0x20: {  	[sflag:s8] =	ssyncset.s32 @!p0 $0xFFFFF086;
	s6 =	sadd.s32 @!p0 s3, s7;
	s7 =	simm.s32 @!p0 $0x108  }
0x21: {  	s3 =	sadd.s32 s3, s9;
	s6 =	sadd.s32 @!p0 $0x88, s6;
	s7 =	simm.s32 @p2 $0x1082  }
0x22: {  	[simem:s7], [sflag:s8] =	dma.local @!p0 [hbm:s6], $0xF7A  }
0x23: {  	s9 =	sor.u32 $0xD0000000, s2;
	s6 =	simm.s32 $0x108;
	_ =	swait.ge @!p0 [sflag:s8], $0x0  }
0x24: {  	s3 =	sadd.s32 $0x88, s3;
	s6 =	simm.s32 @!p1 $0x1082;
	[sflag:s4] =	ssyncset.s32 $0xFFFFF086  }
0x25: {  	[simem:s6], [sflag:s4] =	dma.local [hbm:s3], $0xF7A  }
0x26: {  	[smem:$0x3F91] =	sst s1;
	(tag) =	ssettag s2;
	_ =	strace s9  }
0x27: {  	s1 =	sld [smem:$0x3FA1]  }
0x28: {  	s2 =	sld [smem:$0x3FA2]  }
0x29: {  	s4 =	sld [smem:$0x3FA4]  }
0x2a: {  	p0 =	seq.s32 s5, $0x0;
	s5 =	sld [smem:$0x3FA5]  }
0x2b: {  	s6 =	sld [smem:$0x3FA6]  }
0x2c: {  	s7 =	sld [smem:$0x3FA7]  }
0x2d: {  	s3 =	simm.s32 $0x108;
	s8 =	sld [smem:$0x3FA8]  }
0x2e: {  	s3 =	simm.s32 @!p0 $0x1082;
	s9 =	sld [smem:$0x3FA9]  }
0x2f: {  	lr =	sadd.s32 s0, s3;
	s0 =	sld [smem:$0x3FA0]  }
0x30: {  	s3 =	sld [smem:$0x3FA3]  }
0x31: {  	[smem:$0x3FAC] =	sst s10  }
0x32: {  	s10 =	sld [smem:$0x3FAA];
	_ =	sdelay $0x3  }
0x33: {  	p0 =	seq.s32 s10, $0x1;
	s10 =	sld [smem:$0x3FAC];
	_ =	sdelay $0x3  }
0x34: {  	[smem:$0x3FAC] =	sst s10  }
0x35: {  	s10 =	sld [smem:$0x3FAB];
	_ =	sdelay $0x3  }
0x36: {  	p1 =	seq.s32 s10, $0x1;
	s10 =	sld [smem:$0x3FAC];
	_ =	sdelay $0x3  }
0x37: {  	[smem:$0x3FAC] =	sst s10  }
0x38: {  	s10 =	sld [smem:$0x3FAD]  }
0x39: {  	_ = 	snop;
	(pc) =	sbr.ind lr, $3  }
0x3a: {  	_ = 	snop  }
0x3b: {  	_ = 	snop  }
0x3c: {  	p2 =	seq.s32 s10, $0x1;
	s10 =	sld [smem:$0x3FAC]  }
0x3d: {  	_ =	shalt  }
0x3e: {  	_ =	shalt  }
0x3f: {  	_ =	shalt  }
0x40: {  	_ =	shalt  }
0x41: {  	_ =	shalt  }
0x42: {  	_ =	shalt  }
0x43: {  	_ =	shalt  }
0x44: {  	_ =	shalt  }
0x45: {  	_ =	shalt  }
0x46: {  	_ =	shalt  }
0x47: {  	_ =	shalt  }
0x48: {  	_ =	shalt  }
0x49: {  	_ =	shalt  }
0x4a: {  	_ =	shalt  }
0x4b: {  	_ =	shalt  }
0x4c: {  	_ =	shalt  }
0x4d: {  	_ =	shalt  }
0x4e: {  	_ =	shalt  }
0x4f: {  	_ =	shalt  }
0x50: {  	_ =	shalt  }
0x51: {  	_ =	shalt  }
0x52: {  	_ =	shalt  }
0x53: {  	_ =	shalt  }
0x54: {  	_ =	shalt  }
0x55: {  	_ =	shalt  }
0x56: {  	_ =	shalt  }
0x57: {  	_ =	shalt  }
0x58: {  	_ =	shalt  }
0x59: {  	_ =	shalt  }
0x5a: {  	_ =	shalt  }
0x5b: {  	_ =	shalt  }
0x5c: {  	_ =	shalt  }
0x5d: {  	_ =	shalt  }
0x5e: {  	_ =	shalt  }
0x5f: {  	_ =	shalt  }
0x60: {  	_ =	shalt  }
0x61: {  	_ =	shalt  }
0x62: {  	_ =	shalt  }
0x63: {  	_ =	shalt  }
0x64: {  	_ =	shalt  }
0x65: {  	_ =	shalt  }
0x66: {  	_ =	shalt  }
0x67: {  	_ =	shalt  }
0x68: {  	_ =	shalt  }
0x69: {  	_ =	shalt  }
0x6a: {  	_ =	shalt  }
0x6b: {  	_ =	shalt  }
0x6c: {  	_ =	shalt  }
0x6d: {  	_ =	shalt  }
0x6e: {  	_ =	shalt  }
0x6f: {  	_ =	shalt  }
0x70: {  	_ =	shalt  }
0x71: {  	_ =	shalt  }
0x72: {  	_ =	shalt  }
0x73: {  	_ =	shalt  }
0x74: {  	_ =	shalt  }
0x75: {  	_ =	shalt  }
0x76: {  	_ =	shalt  }
0x77: {  	_ =	shalt  }
0x78: {  	_ =	shalt  }
0x79: {  	_ =	shalt  }
0x7a: {  	_ =	shalt  }
0x7b: {  	_ =	shalt  }
0x7c: {  	_ =	shalt  }
0x7d: {  	_ =	shalt  }
0x7e: {  	_ =	shalt  }
0x7f: {  	_ =	shalt  }
0x80: {  	_ =	shalt  }
0x81: {  	_ =	shalt  }
0x82: {  	_ =	shalt  }
0x83: {  	_ =	shalt  }
0x84: {  	_ =	shalt  }
0x85: {  	_ =	shalt  }
0x86: {  	_ =	shalt  }
0x87: {  	_ =	shalt  }
.Lfunc_end0:
.L_simem_size_0:
called_computation.1_lowered:
.L_overlay_start_0:
0x88: {  	s2 =	sld [smem:$0x3FD9]  }
0x89: {  	s3 =	sld [smem:$0x3FFE];
	_ =	sdelay $0x1  }
0x8a: {  	s1 =	srdreg.scid  }
0x8b: {  	s0 =	sand.u32 $0x1, s1  }
0x8c: {  	s16 =	sshll.u32 s0, $0xA;
	s2 =	sadd.s32 s3, s2  }
0x8d: {  	s2 =	sadd.s32 s2, s16  }
0x8e: {  	[smem:$0x3FB8] =	sst s2  }
0x8f: {  	_ = 	snop  }
0x90: {  	(tm) =	ssettm $0x1  }
0x91: {  	s17 =	sld [smem:$0x3FFB];
	_ =	sdelay $0x3  }
0x92: {  	_ =	strace s17  }
0x93: {  	s2 =	sld [smem:$0x3FFC];
	_ =	sdelay $0x3  }
0x94: {  	_ =	strace s2  }
0x95: {  	s2 =	sld [smem:$0x3FFD];
	_ =	sdelay $0x3  }
0x96: {  	_ =	strace s2  }
0x97: {  	_ =	strace $0x8FFFFFFF  }
0x98: {  	s18 =	sld [smem:$0x3FDB];
	_ =	sdelay $0x1  }
0x99: {  	s19 =	simm.s32 $_scs_section_size  }
0x9a: {  	s4 =	simm.s32 $_size__tile_overlayer_lowered;
	s5 =	simm.s32 $_tile_overlayer_lowered  }
0x9b: {  	s22 =	simm.s32 $0x1BFF;
	s21 =	sshll.u32 s5, $0x1;
	s2 =	sadd.s32 s19, s18  }
0x9c: {  	s6 =	simm.s32 $0x0;
	s20 =	sshll.u32 s4, $0x1;
	s4 =	sadd.s32 s21, s2  }
0x9d: {  	[timem:s6], [sflag:s22] =	dma.local [hbm:s4], s20  }
0x9e: {  	_ =	swait.ge [sflag:s22], s20  }
0x9f: {  	s3 =	ssub.s32 $0x0, s20;
	[sflag:s22] =	ssyncset.done $0x0  }
0xa0: {  	[sflag:s22] =	ssyncadd.s32 s3;
	_ =	sdelay $0x1  }
0xa1: {  	s23 =	simm.s32 $0x1B8B  }
0xa2: {  	_ =	swait.ge [sflag:s23], $0x1  }
0xa3: {  	[sflag:s23] =	ssyncset.done $0x0  }
0xa4: {  	s25 =	simm.s32 $0x1B8E;
	s24 =	sld [smem:$0x3FFE];
	[sflag:s23] =	ssyncadd.s32 $0xFFFFFFFF  }
0xa5: {  	s26 =	simm.s32 $execute0_lowered;
	[smem:$0x3FD2] =	sst s25  }
0xa6: {  	s4 =	sshll.u32 s26, $0x1;
	_ =	strace $0x80000049;
	[dreg:$0x1] =	wrdreg $0xFFFFFFFF  }
0xa7: {  	s28 =	simm.s32 $_size_execute0_lowered;
	s2 =	sadd.s32 s2, s4;
	[dreg:$0x0] =	wrdreg $0x0  }
0xa8: {  	s4 =	sshll.u32 s28, $0x1;
	[dreg:$0x2] =	wrdreg s2  }
0xa9: {  	[dreg:$0x3] =	wrdreg s4  }
0xaa: {  	[dreg:$0x4] =	wrdreg $0xC0  }
0xab: {  	_ =	task [dreg:s6], $0x5FFFF  }
0xac: {  	[dreg:$0x1] =	wrdreg $0xFFFFFFFF  }
0xad: {  	[dreg:$0x0] =	wrdreg $0x60  }
0xae: {  	[dreg:$0x2] =	wrdreg s24  }
0xaf: {  	[dreg:$0x3] =	wrdreg $0x0  }
0xb0: {  	[dreg:$0x4] =	wrdreg $0x9  }
0xb1: {  	_ =	task.clear_ibuf [dreg:s6], $0x5FFFF;
	_ =	strace $0x90000049  }
0xb2: {  	s29 =	simm.s32 $0x9;
	_ =	strace $0x8000004B  }
0xb3: {  	_ =	swait.ge [sflag:s29], $0x1  }
0xb4: {  	[sflag:s29] =	ssyncadd.s32 $0xFFFFFFFF  }
0xb5: {  	_ =	strace $0x9000004B  }
0xb6: {  	_ =	sfence  }
0xb7: {  	s30 =	sld [smem:$0x0];
	_ =	sdelay $0x2  }
0xb8: {  	s31 =	sshll.u32 s1, $0xD;
	s1 =	sshrl.u32 s1, $0x2  }
0xb9: {  	s3 =	sand.u32 $0x4000, s31;
	s1 =	sadd.s32 s1, s30  }
0xba: {  	s0 =	sor.u32 s3, s0;
	s1 =	sshll.u32 s1, $0x11  }
0xbb: {  	s0 =	sor.u32 s1, s0  }
0xbc: {  	s0 =	sadd.s32 $0x8F2B, s0  }
0xbd: {  	[sflag:s0] =	ssyncadd.remote.s32 $0x1  }
0xbe: {  	_ =	sfence.sel $0xFFFF  }
0xbf: {  	[dreg:$0x0] =	wrdreg $0xFFFFFFFF;
	(pc) =	sbr.abs _section_cstart, $3  }
0xc0: {  	[dreg:$0x1] =	wrdreg $0xFFFFFFFF  }
0xc1: {  	_ =	task.clear_ibuf [dreg:s6], $0x2FFFF;
	_ =	strace $0x9FFFFFFF  }
0xc2: {  	(tm) =	ssettm $0x7FFFFFFF  }
0xc3: {  	_ =	shalt  }
tec
execute0_lowered:
.L_overlay_start_1:
0x0: {  	(tag) =	ssettag $0x1  }
0x1: {  	s0 =	stileid.u32;
	s1 =	srdreg.scid  }
0x2: {  	s5 =	rddreg [dreg:$0x0];
	s4 =	smul.u32 $0x4E200, s0  }
0x3: {  	s2 =	rddreg [dreg:$0x1];
	s3 =	simm.s32 $0x0;
	s7 =	smul.u32 $0x4E20, s0  }
0x4: {  	s14 =	simm.s32 $0xC8;
	s6 =	sand.u32 $0x1, s1;
	s9 =	smul.u32 $0x14000, s0  }
0x5: {  	s15 =	simm.s32 $0x0;
	s1 =	rddreg [dreg:$0x2];
	s8 =	smul.u32 $0x2710, s6  }
0x6: {  	[smem:$0x7FF] =	sst s3;
	s30 =	sshll.u32 s0, $0x6;
	s25 =	smul.u32 $0x140000, s6  }
0x7: {  	_ =	strace $0x8000004A;
	s28 =	ssub.s32 $0x2, s6;
	s12 =	smul.u32 $0x27100, s6  }
0x8: {  	s10 =	sadd.s32 s4, s5;
	s4 =	sadd.s32 $0x18E00, s5;
	s29 =	sshrl.u32 s28, $0x1  }
0x9: {  	s13 =	sadd.s32 s9, s2;
	s7 =	sadd.s32 s8, s7;
	s26 =	sadd.s32 s9, s25  }
0xa: {  	s8 =	ssub.s32 s28, s29;
	s31 =	sadd.s32 s12, s10;
	s7 =	sshrl.u32 s7, $0x3  }
0xb: {  	s10 =	sshrl.u32 s13, $0x3;
	s11 =	sadd.s32 s7, s5;
	s7 =	sshrl.u32 s26, $0x3  }
0xc: {  	s12 =	simm.s32 $0x14000;
	s13 =	simm.s32 $0x140C8;
	s7 =	sadd.s32 s7, s5  }
0xd: {  	s5 =	sor.u32 $0x1C01, s30;
	s9 =	sadd.s32 $0x293E00, s11;
	s11 =	simm.s32 $0x1  }
0xe: {  	s6 =	sadd.s32 $0x1B600, s7;
	s7 =	smax.u32 s8, $0x1;
	s8 =	sadd.s32 $0xC61C00, s31  }
.LBB2_1:
0xf: {  	[spmem:s10], [sflag:s5] =	dma.local [hbm:s4], $0x2800  }
0x10: {  	_ =	swait.ge [sflag:s11], $0x2800  }
0x11: {  	[sflag:s11] =	ssyncset.done $0x0  }
0x12: {  	[sflag:s11] =	ssyncadd.s32 $0xFFFFD800  }
0x13: {  	s16 =	sadd.s32 $0x0, s9;
	[bflag:$0x0] =	sbarrier.arrive $0xFFFF  }
0x14: {  	[tilespmem:s12], [sflag:$0x1] =	stream.linear.gather [hbm4b:s16+s3], $0xC8, $0x38;
	[tilespmem:$0x1A4C8] =	vst v63  }
0x15: {  	_ =	swait.ge [sflag:s11], $0xC8  }
0x16: {  	[sflag:s11] =	ssyncset.done $0x0  }
0x17: {  	[sflag:s11] =	ssyncadd.s32 $0xFFFFFF38  }
0x18: {  	[tilespmem:s13], [sflag:$0x1] =	stream.linear.gather [hbm4b:s8+s3], $0x6400, $0x38;
	[tilespmem:$0x1A4C8] =	vst v63  }
0x19: {  	_ =	swait.ge [sflag:s11], $0x6400  }
0x1a: {  	[sflag:s11] =	ssyncset.done $0x0  }
0x1b: {  	[sflag:s11] =	ssyncadd.s32 $0xFFFF9C00  }
0x1c: {  	[spmem:s2] =	stream.indirect.scatter.add.f32 [tilespmem:s13], [sflag:$0x1], $0x80, s12, s14, $0xb8;
	[tilespmem:$0x1A4C8] =	vst v63  }
0x1d: {  	s17 =	simm.s32 $0x19;
	_ =	swait.ge [sflag:s11], $0x6400  }
0x1e: {  	s18 =	simm.s32 $0x32;
	s16 =	sadd.s32 $0xC80, s8;
	[sflag:s11] =	ssyncset.done $0x0  }
.LBB2_2:
0x1f: {  	s19 =	sadd.s32 s17, s9  }
0x20: {  	[sflag:s11] =	ssyncadd.s32 $0xFFFF9C00;
	s17 =	smov.u32 s18;
	s20 =	sadd.s32 $0x19, s18  }
0x21: {  	[tilespmem:s12], [sflag:$0x1] =	stream.linear.gather [hbm4b:s19+s3], $0xC8, $0x38;
	[tilespmem:$0x1A4C8] =	vst v63  }
0x22: {  	p0 =	sne.s32 s18, $0x4C9;
	_ =	swait.ge [sflag:s11], $0xC8  }
0x23: {  	[sflag:s11] =	ssyncset.done $0x0  }
0x24: {  	[sflag:s11] =	ssyncadd.s32 $0xFFFFFF38  }
0x25: {  	[tilespmem:s13], [sflag:$0x1] =	stream.linear.gather [hbm4b:s16+s3], $0x6400, $0x38;
	[tilespmem:$0x1A4C8] =	vst v63  }
0x26: {  	_ =	swait.ge [sflag:s11], $0x6400  }
.Ltmp0:
0x27: {  	[sflag:s11] =	ssyncset.done $0x0;
	(pc) =	sbr.rel @p0 .LBB2_2-.Ltmp0, $4  }
0x28: {  	[sflag:s11] =	ssyncadd.s32 $0xFFFF9C00  }
0x29: {  	[spmem:s2] =	stream.indirect.scatter.add.f32 [tilespmem:s13], [sflag:$0x1], $0x80, s12, s14, $0xb8;
	[tilespmem:$0x1A4C8] =	vst v63  }
0x2a: {  	_ =	swait.ge [sflag:s11], $0x6400  }
0x2b: {  	s18 =	smov.u32 s20;
	s16 =	sadd.s32 $0xC80, s16;
	[sflag:s11] =	ssyncset.done $0x0  }
0x2c: {  	s17 =	sadd.s32 s17, s9;
	[sflag:s11] =	ssyncadd.s32 $0xFFFF9C00  }
0x2d: {  	[tilespmem:s12], [sflag:$0x1] =	stream.linear.gather [hbm4b:s17+s3], $0xC8, $0x38;
	[tilespmem:$0x1A4C8] =	vst v63  }
0x2e: {  	_ =	swait.ge [sflag:s11], $0xC8  }
0x2f: {  	[sflag:s11] =	ssyncset.done $0x0  }
0x30: {  	[sflag:s11] =	ssyncadd.s32 $0xFFFFFF38  }
0x31: {  	[tilespmem:s13], [sflag:$0x1] =	stream.linear.gather [hbm4b:s16+s3], $0x6400, $0x38;
	[tilespmem:$0x1A4C8] =	vst v63  }
0x32: {  	_ =	swait.ge [sflag:s11], $0x6400  }
0x33: {  	[sflag:s11] =	ssyncset.done $0x0  }
0x34: {  	[sflag:s11] =	ssyncadd.s32 $0xFFFF9C00  }
0x35: {  	[spmem:s2] =	stream.indirect.scatter.add.f32 [tilespmem:s13], [sflag:$0x1], $0x80, s12, s14, $0xb8;
	[tilespmem:$0x1A4C8] =	vst v63  }
0x36: {  	_ =	swait.ge [sflag:s11], $0x6400  }
0x37: {  	s15 =	sadd.s32 $0x1, s15;
	[sflag:s11] =	ssyncset.done $0x0  }
0x38: {  	p0 =	sne.s32 s15, s7;
	[sflag:s11] =	ssyncadd.s32 $0xFFFF9C00  }
.Ltmp1:
0x39: {  	[bflag:$0x0] =	sbarrier.arrive $0xFFFF;
	(pc) =	sbr.rel @p0 .LBB2_1-.Ltmp1, $4  }
0x3a: {  	[hbm:s6], [sflag:s5] =	dma.local [spmem:s10], $0x2800  }
0x3b: {  	_ =	swait.ge [sflag:s11], $0x2800  }
0x3c: {  	[sflag:s11] =	ssyncset.done $0x0  }
0x3d: {  	[sflag:s11] =	ssyncadd.s32 $0xFFFFD800  }
0x3e: {  	_ =	sfence.sel $0x180000  }
0x3f: {  	[bflag:$0x0] =	sbarrier.arrive $0xFFFF  }
0x40: {  	p0 =	sne.s32 s0, $0x0;
	_ =	strace $0x9000004A  }
0x41: {  	s0 =	sadd.s32 @!p0 $0x100000, s1;
	[bflag:$0x2] =	sbarrier.arrive $0xFFFF  }
0x42: {  	[sflag:s0] =	ssyncadd.tile.s32 @!p0 $0x1;
	_ =	shalt  }
.Lfunc_end2:
_tile_overlayer_lowered:
.L_overlay_start_2:
0x43: {  	(tag) =	ssettag $0x2  }
0x44: {  	s0 =	rddreg [dreg:$0x0];
	s2 =	stileid.u32  }
0x45: {  	s1 =	rddreg [dreg:$0x1];
	p0 =	sne.s32 s2, $0x0  }
0x46: {  	s3 =	rddreg [dreg:$0x2];
	[bflag:$0x3] =	sbarrier.arrive $0xFFFF;
	s2 =	simm.s32 @!p0 $0x1C01  }
0x47: {  	[timem:s3], [sflag:s2] =	dma.local @!p0 [hbm:s0], s1  }
0x48: {  	s0 =	simm.s32 @!p0 $0x1  }
0x49: {  	_ =	swait.ge @!p0 [sflag:s0], s1  }
0x4a: {  	s1 =	ssub.s32 @!p0 $0x0, s1;
	[sflag:s0] =	ssyncset.done @!p0 $0x0  }
0x4b: {  	[sflag:s0] =	ssyncadd.s32 @!p0 s1  }
0x4c: {  	[bflag:$0x3] =	sbarrier.arrive $0xFFFF  }
0x4d: {  	_ =	shalt  }

// kernel: kernel.17.cloned.1.call-start
scs
__scs_entry_jumppad:
0x0: {  	(pc) =	sbr.rel $0x88, $3  }
0x1: {  	(tag) =	ssettag $0x0;
	lr =	simm.s32 $0x1  }
0x2: {  	[smem:$0x3F91] =	sst lr;
	_ =	strace $0xD0000000  }
0x3: {  	_ = 	snop  }
0x4: {  	_ = 	snop  }
0x5: {  	_ = 	snop  }
0x6: {  	_ = 	snop  }
0x7: {  	_ = 	snop  }
__scs_overlays_trampoline_lowered:
0x8: {  	[smem:$0x3FA0] =	sst s0  }
0x9: {  	[smem:$0x3FA1] =	sst s1  }
0xa: {  	[smem:$0x3FA2] =	sst s2  }
0xb: {  	[smem:$0x3FA3] =	sst s3  }
0xc: {  	[smem:$0x3FA4] =	sst s4  }
0xd: {  	[smem:$0x3FA5] =	sst s5  }
0xe: {  	[smem:$0x3FA6] =	sst s6  }
0xf: {  	[smem:$0x3FA7] =	sst s7  }
0x10: {  	[smem:$0x3FA8] =	sst s8  }
0x11: {  	[smem:$0x3FA9] =	sst s9;
	s0 =	simm.s32 @!p0 $0x0  }
0x12: {  	s1 =	sld [smem:$0x3F8F];
	s0 =	simm.s32 @p0 $0x1  }
0x13: {  	[smem:$0x3FAA] =	sst s0;
	s0 =	simm.s32 @!p1 $0x0  }
0x14: {  	s2 =	sld [smem:$0x3F8E];
	s0 =	simm.s32 @p1 $0x1  }
0x15: {  	[smem:$0x3FAB] =	sst s0;
	s0 =	simm.s32 @!p2 $0x0  }
0x16: {  	s3 =	sld [smem:$0x3FDB];
	s0 =	simm.s32 @p2 $0x1  }
0x17: {  	s4 =	simm.s32 $0x1BF5;
	[smem:$0x3FAD] =	sst s0  }
0x18: {  	s0 =	sld [smem:$0x3F90];
	_ =	swait.ge [sflag:s4], $0x0  }
0x19: {  	s7 =	sld [smem:$0x3F91]  }
0x1a: {  	s8 =	sadd.s32 $0xFFFFE003, lr  }
0x1b: {  	s9 =	sadd.s32 $0xFFFFFEF7, lr;
	s5 =	simm.s32 $0xFFFFFFFF;
	p2 =	slt.u32 s8, $0xFFFFF086  }
0x1c: {  	p1 =	slt.u32 s9, $0xF7A;
	s5 =	simm.s32 @!p2 $0x0  }
0x1d: {  	s5 =	simm.s32 @p1 $0x1;
	p0 =	seq.s32 s7, s2  }
0x1e: {  	s7 =	smul.u32 @!p0 $0xF7A, s2;
	p2 =	seq.s32 @!p0 s5, $0x0  }
0x1f: {  	s9 =	smul.u32 $0xF7A, s1;
	s8 =	simm.s32 @!p0 $0x1BF5;
	p2 =	por !p2, p0  }
0x20: {  	[sflag:s8] =	ssyncset.s32 @!p0 $0xFFFFF086;
	s6 =	sadd.s32 @!p0 s3, s7;
	s7 =	simm.s32 @!p0 $0x108  }
0x21: {  	s3 =	sadd.s32 s3, s9;
	s6 =	sadd.s32 @!p0 $0x88, s6;
	s7 =	simm.s32 @p2 $0x1082  }
0x22: {  	[simem:s7], [sflag:s8] =	dma.local @!p0 [hbm:s6], $0xF7A  }
0x23: {  	s9 =	sor.u32 $0xD0000000, s2;
	s6 =	simm.s32 $0x108;
	_ =	swait.ge @!p0 [sflag:s8], $0x0  }
0x24: {  	s3 =	sadd.s32 $0x88, s3;
	s6 =	simm.s32 @!p1 $0x1082;
	[sflag:s4] =	ssyncset.s32 $0xFFFFF086  }
0x25: {  	[simem:s6], [sflag:s4] =	dma.local [hbm:s3], $0xF7A  }
0x26: {  	[smem:$0x3F91] =	sst s1;
	(tag) =	ssettag s2;
	_ =	strace s9  }
0x27: {  	s1 =	sld [smem:$0x3FA1]  }
0x28: {  	s2 =	sld [smem:$0x3FA2]  }
0x29: {  	s4 =	sld [smem:$0x3FA4]  }
0x2a: {  	p0 =	seq.s32 s5, $0x0;
	s5 =	sld [smem:$0x3FA5]  }
0x2b: {  	s6 =	sld [smem:$0x3FA6]  }
0x2c: {  	s7 =	sld [smem:$0x3FA7]  }
0x2d: {  	s3 =	simm.s32 $0x108;
	s8 =	sld [smem:$0x3FA8]  }
0x2e: {  	s3 =	simm.s32 @!p0 $0x1082;
	s9 =	sld [smem:$0x3FA9]  }
0x2f: {  	lr =	sadd.s32 s0, s3;
	s0 =	sld [smem:$0x3FA0]  }
0x30: {  	s3 =	sld [smem:$0x3FA3]  }
0x31: {  	[smem:$0x3FAC] =	sst s10  }
0x32: {  	s10 =	sld [smem:$0x3FAA];
	_ =	sdelay $0x3  }
0x33: {  	p0 =	seq.s32 s10, $0x1;
	s10 =	sld [smem:$0x3FAC];
	_ =	sdelay $0x3  }
0x34: {  	[smem:$0x3FAC] =	sst s10  }
0x35: {  	s10 =	sld [smem:$0x3FAB];
	_ =	sdelay $0x3  }
0x36: {  	p1 =	seq.s32 s10, $0x1;
	s10 =	sld [smem:$0x3FAC];
	_ =	sdelay $0x3  }
0x37: {  	[smem:$0x3FAC] =	sst s10  }
0x38: {  	s10 =	sld [smem:$0x3FAD]  }
0x39: {  	_ = 	snop;
	(pc) =	sbr.ind lr, $3  }
0x3a: {  	_ = 	snop  }
0x3b: {  	_ = 	snop  }
0x3c: {  	p2 =	seq.s32 s10, $0x1;
	s10 =	sld [smem:$0x3FAC]  }
0x3d: {  	_ =	shalt  }
0x3e: {  	_ =	shalt  }
0x3f: {  	_ =	shalt  }
0x40: {  	_ =	shalt  }
0x41: {  	_ =	shalt  }
0x42: {  	_ =	shalt  }
0x43: {  	_ =	shalt  }
0x44: {  	_ =	shalt  }
0x45: {  	_ =	shalt  }
0x46: {  	_ =	shalt  }
0x47: {  	_ =	shalt  }
0x48: {  	_ =	shalt  }
0x49: {  	_ =	shalt  }
0x4a: {  	_ =	shalt  }
0x4b: {  	_ =	shalt  }
0x4c: {  	_ =	shalt  }
0x4d: {  	_ =	shalt  }
0x4e: {  	_ =	shalt  }
0x4f: {  	_ =	shalt  }
0x50: {  	_ =	shalt  }
0x51: {  	_ =	shalt  }
0x52: {  	_ =	shalt  }
0x53: {  	_ =	shalt  }
0x54: {  	_ =	shalt  }
0x55: {  	_ =	shalt  }
0x56: {  	_ =	shalt  }
0x57: {  	_ =	shalt  }
0x58: {  	_ =	shalt  }
0x59: {  	_ =	shalt  }
0x5a: {  	_ =	shalt  }
0x5b: {  	_ =	shalt  }
0x5c: {  	_ =	shalt  }
0x5d: {  	_ =	shalt  }
0x5e: {  	_ =	shalt  }
0x5f: {  	_ =	shalt  }
0x60: {  	_ =	shalt  }
0x61: {  	_ =	shalt  }
0x62: {  	_ =	shalt  }
0x63: {  	_ =	shalt  }
0x64: {  	_ =	shalt  }
0x65: {  	_ =	shalt  }
0x66: {  	_ =	shalt  }
0x67: {  	_ =	shalt  }
0x68: {  	_ =	shalt  }
0x69: {  	_ =	shalt  }
0x6a: {  	_ =	shalt  }
0x6b: {  	_ =	shalt  }
0x6c: {  	_ =	shalt  }
0x6d: {  	_ =	shalt  }
0x6e: {  	_ =	shalt  }
0x6f: {  	_ =	shalt  }
0x70: {  	_ =	shalt  }
0x71: {  	_ =	shalt  }
0x72: {  	_ =	shalt  }
0x73: {  	_ =	shalt  }
0x74: {  	_ =	shalt  }
0x75: {  	_ =	shalt  }
0x76: {  	_ =	shalt  }
0x77: {  	_ =	shalt  }
0x78: {  	_ =	shalt  }
0x79: {  	_ =	shalt  }
0x7a: {  	_ =	shalt  }
0x7b: {  	_ =	shalt  }
0x7c: {  	_ =	shalt  }
0x7d: {  	_ =	shalt  }
0x7e: {  	_ =	shalt  }
0x7f: {  	_ =	shalt  }
0x80: {  	_ =	shalt  }
0x81: {  	_ =	shalt  }
0x82: {  	_ =	shalt  }
0x83: {  	_ =	shalt  }
0x84: {  	_ =	shalt  }
0x85: {  	_ =	shalt  }
0x86: {  	_ =	shalt  }
0x87: {  	_ =	shalt  }
.Lfunc_end0:
.L_simem_size_0:
called_computation.2_lowered:
.L_overlay_start_0:
0x88: {  	s2 =	sld [smem:$0x3FD9]  }
0x89: {  	s3 =	sld [smem:$0x3FFE];
	_ =	sdelay $0x1  }
0x8a: {  	s1 =	srdreg.scid  }
0x8b: {  	s0 =	sand.u32 $0x1, s1  }
0x8c: {  	s16 =	sshll.u32 s0, $0xA;
	s2 =	sadd.s32 s3, s2  }
0x8d: {  	s2 =	sadd.s32 s2, s16  }
0x8e: {  	[smem:$0x3FB8] =	sst s2  }
0x8f: {  	_ = 	snop  }
0x90: {  	(tm) =	ssettm $0x1  }
0x91: {  	s17 =	sld [smem:$0x3FFB];
	_ =	sdelay $0x3  }
0x92: {  	_ =	strace s17  }
0x93: {  	s2 =	sld [smem:$0x3FFC];
	_ =	sdelay $0x3  }
0x94: {  	_ =	strace s2  }
0x95: {  	s2 =	sld [smem:$0x3FFD];
	_ =	sdelay $0x3  }
0x96: {  	_ =	strace s2  }
0x97: {  	_ =	strace $0x8FFFFFFF  }
0x98: {  	s18 =	sld [smem:$0x3FDB];
	_ =	sdelay $0x1  }
0x99: {  	s19 =	simm.s32 $_scs_section_size  }
0x9a: {  	s4 =	simm.s32 $_size__tile_overlayer_lowered;
	s5 =	simm.s32 $_tile_overlayer_lowered  }
0x9b: {  	s22 =	simm.s32 $0x1BFF;
	s21 =	sshll.u32 s5, $0x1;
	s2 =	sadd.s32 s19, s18  }
0x9c: {  	s6 =	simm.s32 $0x0;
	s20 =	sshll.u32 s4, $0x1;
	s4 =	sadd.s32 s21, s2  }
0x9d: {  	[timem:s6], [sflag:s22] =	dma.local [hbm:s4], s20  }
0x9e: {  	_ =	swait.ge [sflag:s22], s20  }
0x9f: {  	s3 =	ssub.s32 $0x0, s20;
	[sflag:s22] =	ssyncset.done $0x0  }
0xa0: {  	[sflag:s22] =	ssyncadd.s32 s3;
	_ =	sdelay $0x1  }
0xa1: {  	s23 =	simm.s32 $0x1B8B  }
0xa2: {  	_ =	swait.ge [sflag:s23], $0x1  }
0xa3: {  	[sflag:s23] =	ssyncset.done $0x0  }
0xa4: {  	s25 =	simm.s32 $0x1B8E;
	s24 =	sld [smem:$0x3FFE];
	[sflag:s23] =	ssyncadd.s32 $0xFFFFFFFF  }
0xa5: {  	s26 =	simm.s32 $execute0_lowered;
	[smem:$0x3FD2] =	sst s25  }
0xa6: {  	s4 =	sshll.u32 s26, $0x1;
	_ =	strace $0x8000004C;
	[dreg:$0x1] =	wrdreg $0xFFFFFFFF  }
0xa7: {  	s28 =	simm.s32 $_size_execute0_lowered;
	s2 =	sadd.s32 s2, s4;
	[dreg:$0x0] =	wrdreg $0x0  }
0xa8: {  	s4 =	sshll.u32 s28, $0x1;
	[dreg:$0x2] =	wrdreg s2  }
0xa9: {  	[dreg:$0x3] =	wrdreg s4  }
0xaa: {  	[dreg:$0x4] =	wrdreg $0xC0  }
0xab: {  	_ =	task [dreg:s6], $0x5FFFF  }
0xac: {  	[dreg:$0x1] =	wrdreg $0xFFFFFFFF  }
0xad: {  	[dreg:$0x0] =	wrdreg $0x60  }
0xae: {  	[dreg:$0x2] =	wrdreg s24  }
0xaf: {  	[dreg:$0x3] =	wrdreg $0x9  }
0xb0: {  	_ =	task.clear_ibuf [dreg:s6], $0x4FFFF;
	_ =	strace $0x9000004C  }
0xb1: {  	s29 =	simm.s32 $0x9;
	_ =	strace $0x8000004E  }
0xb2: {  	_ =	swait.ge [sflag:s29], $0x1  }
0xb3: {  	[sflag:s29] =	ssyncadd.s32 $0xFFFFFFFF  }
0xb4: {  	_ =	strace $0x9000004E  }
0xb5: {  	_ =	sfence  }
0xb6: {  	s30 =	sld [smem:$0x0];
	_ =	sdelay $0x2  }
0xb7: {  	s31 =	sshll.u32 s1, $0xD;
	s1 =	sshrl.u32 s1, $0x2  }
0xb8: {  	s3 =	sand.u32 $0x4000, s31;
	s1 =	sadd.s32 s1, s30  }
0xb9: {  	s0 =	sor.u32 s3, s0;
	s1 =	sshll.u32 s1, $0x11  }
0xba: {  	s0 =	sor.u32 s1, s0  }
0xbb: {  	s0 =	sadd.s32 $0x8F2B, s0  }
0xbc: {  	[sflag:s0] =	ssyncadd.remote.s32 $0x1  }
0xbd: {  	_ =	sfence.sel $0xFFFF  }
0xbe: {  	[dreg:$0x0] =	wrdreg $0xFFFFFFFF;
	(pc) =	sbr.abs _section_cstart, $3  }
0xbf: {  	[dreg:$0x1] =	wrdreg $0xFFFFFFFF  }
0xc0: {  	_ =	task.clear_ibuf [dreg:s6], $0x2FFFF;
	_ =	strace $0x9FFFFFFF  }
0xc1: {  	(tm) =	ssettm $0x7FFFFFFF  }
tec
execute0_lowered:
.L_overlay_start_1:
0x0: {  	(tag) =	ssettag $0x1  }
0x1: {  	s4 =	rddreg [dreg:$0x0]  }
0x2: {  	s0 =	rddreg [dreg:$0x1];
	s3 =	srdreg.scid  }
0x3: {  	s1 =	stileid.u32;
	s2 =	simm.s32 $0x0;
	s11 =	simm.s32 $0x7D0  }
0x4: {  	s12 =	simm.s32 $0x84D0;
	s13 =	simm.s32 $0x1;
	s6 =	smul.u32 $0x4E20, s1  }
0x5: {  	s14 =	simm.s32 $0x2;
	s5 =	sand.u32 $0x1, s3;
	s8 =	smul.u32 $0x13880, s1  }
0x6: {  	s15 =	simm.s32 $0x0;
	[smem:$0x7FF] =	sst s2;
	s7 =	smul.u32 $0x2710, s5  }
0x7: {  	s3 =	sadd.s32 $0x1B600, s4;
	s29 =	ssub.s32 $0x2, s5;
	s5 =	smul.u32 $0x9C40, s5  }
0x8: {  	_ =	strace $0x8000004D;
	s8 =	sadd.s32 s8, s4;
	s9 =	sshrl.u32 s29, $0x1  }
0x9: {  	s6 =	sadd.s32 s7, s6;
	s30 =	ssub.s32 s29, s9;
	s31 =	sadd.s32 s5, s8  }
0xa: {  	s9 =	simm.s32 $0x3;
	s6 =	sshrl.u32 s6, $0x3;
	s5 =	sadd.s32 $0x25400, s31  }
0xb: {  	s10 =	sadd.s32 s6, s4;
	s4 =	smax.u32 s30, $0x1;
	s6 =	sadd.s32 $0x29DC00, s31  }
0xc: {  	s7 =	sadd.s32 $0x4A00, s10;
	s8 =	sadd.s32 $0xE800, s10;
	s10 =	simm.s32 $0x3E8  }
.LBB2_1:
0xd: {  	s16 =	sadd.s32 $0x0, s8  }
0xe: {  	[tilespmem:s2], [sflag:$0x3] =	stream.linear.gather [hbm4b:s16+s2], $0x3E8, $0x38;
	[tilespmem:$0x101D0] =	vst v63  }
0xf: {  	_ =	swait.ge [sflag:s9], $0x3E8  }
0x10: {  	[sflag:s9] =	ssyncset.done $0x0  }
0x11: {  	s31 =	sadd.s32 $0x0, s7;
	[sflag:s9] =	ssyncadd.s32 $0xFFFFFC18  }
0x12: {  	[tilespmem:s10], [sflag:$0x3] =	stream.linear.gather [hbm4b:s31+s2], $0x3E8, $0x38;
	[tilespmem:$0x101D0] =	vst v63  }
0x13: {  	_ =	swait.ge [sflag:s9], $0x3E8  }
0x14: {  	[sflag:s9] =	ssyncset.done $0x0  }
0x15: {  	[sflag:s9] =	ssyncadd.s32 $0xFFFFFC18  }
0x16: {  	[tilespmem:s11], [sflag:$0x1] =	stream.indirect.gather [hbm4b:s3+s10], $0x20, s2, s10, $0xb8;
	[tilespmem:$0x101D0] =	vst v63  }
0x17: {  	_ = 	snop  }
0x18: {  	[tilespmem:s12], [sflag:$0x2] =	stream.indirect.gather [hbm4b:s3+s10], $0x20, s10, s10, $0xb8;
	[tilespmem:$0x101D0] =	vst v63  }
0x19: {  	_ =	swait.ge [sflag:s13], $0x7D00  }
0x1a: {  	[sflag:s13] =	ssyncset.done $0x0  }
0x1b: {  	[sflag:s13] =	ssyncadd.s32 $0xFFFF8300  }
0x1c: {  	_ =	swait.ge [sflag:s14], $0x7D00  }
0x1d: {  	[sflag:s14] =	ssyncset.done $0x0  }
0x1e: {  	[sflag:s14] =	ssyncadd.s32 $0xFFFF8300  }
0x1f: {  	[hbm4b:s6+s2] =	stream.linear.scatter [tilespmem:s11], [sflag:$0x3], $0x7D00, $0x38;
	[tilespmem:$0x101D0] =	vst v63  }
0x20: {  	_ =	swait.ge [sflag:s9], $0x7D00  }
0x21: {  	[sflag:s9] =	ssyncset.done $0x0  }
0x22: {  	[sflag:s9] =	ssyncadd.s32 $0xFFFF8300  }
0x23: {  	[hbm4b:s5+s2] =	stream.linear.scatter [tilespmem:s12], [sflag:$0x3], $0x7D00, $0x38;
	[tilespmem:$0x101D0] =	vst v63  }
0x24: {  	s18 =	simm.s32 $0x7D;
	s19 =	simm.s32 $0xFA;
	_ =	swait.ge [sflag:s9], $0x7D00  }
0x25: {  	s17 =	sadd.s32 $0xFA0, s6;
	s16 =	sadd.s32 $0xFA0, s5;
	[sflag:s9] =	ssyncset.done $0x0  }
.LBB2_2:
0x26: {  	s20 =	sadd.s32 s18, s8  }
0x27: {  	[sflag:s9] =	ssyncadd.s32 $0xFFFF8300;
	s21 =	smov.u32 s19;
	s22 =	sadd.s32 $0x7D, s19  }
0x28: {  	[tilespmem:s2], [sflag:$0x3] =	stream.linear.gather [hbm4b:s20+s2], $0x3E8, $0x38;
	[tilespmem:$0x101D0] =	vst v63  }
0x29: {  	p0 =	sne.s32 s19, $0x465;
	_ =	swait.ge [sflag:s9], $0x3E8  }
0x2a: {  	[sflag:s9] =	ssyncset.done $0x0  }
0x2b: {  	s19 =	sadd.s32 s18, s7;
	s18 =	smov.u32 s21;
	[sflag:s9] =	ssyncadd.s32 $0xFFFFFC18  }
0x2c: {  	[tilespmem:s10], [sflag:$0x3] =	stream.linear.gather [hbm4b:s19+s2], $0x3E8, $0x38;
	[tilespmem:$0x101D0] =	vst v63  }
0x2d: {  	_ =	swait.ge [sflag:s9], $0x3E8  }
0x2e: {  	[sflag:s9] =	ssyncset.done $0x0  }
0x2f: {  	[sflag:s9] =	ssyncadd.s32 $0xFFFFFC18  }
0x30: {  	[tilespmem:s11], [sflag:$0x1] =	stream.indirect.gather [hbm4b:s3+s10], $0x20, s2, s10, $0xb8;
	[tilespmem:$0x101D0] =	vst v63  }
0x31: {  	_ = 	snop  }
0x32: {  	[tilespmem:s12], [sflag:$0x2] =	stream.indirect.gather [hbm4b:s3+s10], $0x20, s10, s10, $0xb8;
	[tilespmem:$0x101D0] =	vst v63  }
0x33: {  	_ =	swait.ge [sflag:s13], $0x7D00  }
0x34: {  	[sflag:s13] =	ssyncset.done $0x0  }
0x35: {  	[sflag:s13] =	ssyncadd.s32 $0xFFFF8300  }
0x36: {  	_ =	swait.ge [sflag:s14], $0x7D00  }
0x37: {  	[sflag:s14] =	ssyncset.done $0x0  }
0x38: {  	[sflag:s14] =	ssyncadd.s32 $0xFFFF8300  }
0x39: {  	[hbm4b:s17+s2] =	stream.linear.scatter [tilespmem:s11], [sflag:$0x3], $0x7D00, $0x38;
	[tilespmem:$0x101D0] =	vst v63  }
0x3a: {  	_ =	swait.ge [sflag:s9], $0x7D00  }
.Ltmp0:
0x3b: {  	[sflag:s9] =	ssyncset.done $0x0;
	(pc) =	sbr.rel @p0 .LBB2_2-.Ltmp0, $4  }
0x3c: {  	[sflag:s9] =	ssyncadd.s32 $0xFFFF8300  }
0x3d: {  	[hbm4b:s16+s2] =	stream.linear.scatter [tilespmem:s12], [sflag:$0x3], $0x7D00, $0x38;
	[tilespmem:$0x101D0] =	vst v63  }
0x3e: {  	s19 =	smov.u32 s22;
	_ =	swait.ge [sflag:s9], $0x7D00  }
0x3f: {  	s17 =	sadd.s32 $0xFA0, s17;
	s16 =	sadd.s32 $0xFA0, s16;
	[sflag:s9] =	ssyncset.done $0x0  }
0x40: {  	s19 =	sadd.s32 s18, s8;
	[sflag:s9] =	ssyncadd.s32 $0xFFFF8300  }
0x41: {  	[tilespmem:s2], [sflag:$0x3] =	stream.linear.gather [hbm4b:s19+s2], $0x3E8, $0x38;
	[tilespmem:$0x101D0] =	vst v63  }
0x42: {  	_ =	swait.ge [sflag:s9], $0x3E8  }
0x43: {  	[sflag:s9] =	ssyncset.done $0x0  }
0x44: {  	s31 =	sadd.s32 s18, s7;
	[sflag:s9] =	ssyncadd.s32 $0xFFFFFC18  }
0x45: {  	[tilespmem:s10], [sflag:$0x3] =	stream.linear.gather [hbm4b:s31+s2], $0x3E8, $0x38;
	[tilespmem:$0x101D0] =	vst v63  }
0x46: {  	_ =	swait.ge [sflag:s9], $0x3E8  }
0x47: {  	[sflag:s9] =	ssyncset.done $0x0  }
0x48: {  	[sflag:s9] =	ssyncadd.s32 $0xFFFFFC18  }
0x49: {  	[tilespmem:s11], [sflag:$0x1] =	stream.indirect.gather [hbm4b:s3+s10], $0x20, s2, s10, $0xb8;
	[tilespmem:$0x101D0] =	vst v63  }
0x4a: {  	_ = 	snop  }
0x4b: {  	[tilespmem:s12], [sflag:$0x2] =	stream.indirect.gather [hbm4b:s3+s10], $0x20, s10, s10, $0xb8;
	[tilespmem:$0x101D0] =	vst v63  }
0x4c: {  	_ =	swait.ge [sflag:s13], $0x7D00  }
0x4d: {  	[sflag:s13] =	ssyncset.done $0x0  }
0x4e: {  	[sflag:s13] =	ssyncadd.s32 $0xFFFF8300  }
0x4f: {  	_ =	swait.ge [sflag:s14], $0x7D00  }
0x50: {  	[sflag:s14] =	ssyncset.done $0x0  }
0x51: {  	[sflag:s14] =	ssyncadd.s32 $0xFFFF8300  }
0x52: {  	[hbm4b:s17+s2] =	stream.linear.scatter [tilespmem:s11], [sflag:$0x3], $0x7D00, $0x38;
	[tilespmem:$0x101D0] =	vst v63  }
0x53: {  	s15 =	sadd.s32 $0x1, s15;
	_ =	swait.ge [sflag:s9], $0x7D00  }
0x54: {  	p0 =	sne.s32 s15, s4;
	[sflag:s9] =	ssyncset.done $0x0  }
.Ltmp1:
0x55: {  	[sflag:s9] =	ssyncadd.s32 $0xFFFF8300;
	(pc) =	sbr.rel @p0 .LBB2_1-.Ltmp1, $4  }
0x56: {  	[hbm4b:s16+s2] =	stream.linear.scatter [tilespmem:s12], [sflag:$0x3], $0x7D00, $0x38;
	[tilespmem:$0x101D0] =	vst v63  }
0x57: {  	_ =	swait.ge [sflag:s9], $0x7D00  }
0x58: {  	[sflag:s9] =	ssyncset.done $0x0  }
0x59: {  	[sflag:s9] =	ssyncadd.s32 $0xFFFF8300  }
0x5a: {  	_ =	sfence.sel $0x180000  }
0x5b: {  	[bflag:$0x0] =	sbarrier.arrive $0xFFFF  }
0x5c: {  	p0 =	sne.s32 s1, $0x0;
	_ =	strace $0x9000004D  }
0x5d: {  	s0 =	sadd.s32 @!p0 $0x100000, s0;
	[bflag:$0x2] =	sbarrier.arrive $0xFFFF  }
0x5e: {  	[sflag:s0] =	ssyncadd.tile.s32 @!p0 $0x1;
	_ =	shalt  }
.Lfunc_end2:
_tile_overlayer_lowered:
.L_overlay_start_2:
0x5f: {  	(tag) =	ssettag $0x2  }
0x60: {  	s0 =	rddreg [dreg:$0x0];
	s2 =	stileid.u32  }
0x61: {  	s1 =	rddreg [dreg:$0x1];
	p0 =	sne.s32 s2, $0x0  }
0x62: {  	s3 =	rddreg [dreg:$0x2];
	[bflag:$0x3] =	sbarrier.arrive $0xFFFF;
	s2 =	simm.s32 @!p0 $0x1C03  }
0x63: {  	[timem:s3], [sflag:s2] =	dma.local @!p0 [hbm:s0], s1  }
0x64: {  	s0 =	simm.s32 @!p0 $0x3  }
0x65: {  	_ =	swait.ge @!p0 [sflag:s0], s1  }
0x66: {  	s1 =	ssub.s32 @!p0 $0x0, s1;
	[sflag:s0] =	ssyncset.done @!p0 $0x0  }
0x67: {  	[sflag:s0] =	ssyncadd.s32 @!p0 s1  }
0x68: {  	[bflag:$0x3] =	sbarrier.arrive $0xFFFF  }
0x69: {  	_ =	shalt  }

// kernel: kernel.20.cloned.1.call-start
scs
__scs_entry_jumppad:
0x0: {  	(pc) =	sbr.rel $0x88, $3  }
0x1: {  	(tag) =	ssettag $0x0;
	lr =	simm.s32 $0x1  }
0x2: {  	[smem:$0x3F91] =	sst lr;
	_ =	strace $0xD0000000  }
0x3: {  	_ = 	snop  }
0x4: {  	_ = 	snop  }
0x5: {  	_ = 	snop  }
0x6: {  	_ = 	snop  }
0x7: {  	_ = 	snop  }
__scs_overlays_trampoline_lowered:
0x8: {  	[smem:$0x3FA0] =	sst s0  }
0x9: {  	[smem:$0x3FA1] =	sst s1  }
0xa: {  	[smem:$0x3FA2] =	sst s2  }
0xb: {  	[smem:$0x3FA3] =	sst s3  }
0xc: {  	[smem:$0x3FA4] =	sst s4  }
0xd: {  	[smem:$0x3FA5] =	sst s5  }
0xe: {  	[smem:$0x3FA6] =	sst s6  }
0xf: {  	[smem:$0x3FA7] =	sst s7  }
0x10: {  	[smem:$0x3FA8] =	sst s8  }
0x11: {  	[smem:$0x3FA9] =	sst s9;
	s0 =	simm.s32 @!p0 $0x0  }
0x12: {  	s1 =	sld [smem:$0x3F8F];
	s0 =	simm.s32 @p0 $0x1  }
0x13: {  	[smem:$0x3FAA] =	sst s0;
	s0 =	simm.s32 @!p1 $0x0  }
0x14: {  	s2 =	sld [smem:$0x3F8E];
	s0 =	simm.s32 @p1 $0x1  }
0x15: {  	[smem:$0x3FAB] =	sst s0;
	s0 =	simm.s32 @!p2 $0x0  }
0x16: {  	s3 =	sld [smem:$0x3FDB];
	s0 =	simm.s32 @p2 $0x1  }
0x17: {  	s4 =	simm.s32 $0x1BF5;
	[smem:$0x3FAD] =	sst s0  }
0x18: {  	s0 =	sld [smem:$0x3F90];
	_ =	swait.ge [sflag:s4], $0x0  }
0x19: {  	s7 =	sld [smem:$0x3F91]  }
0x1a: {  	s8 =	sadd.s32 $0xFFFFE003, lr  }
0x1b: {  	s9 =	sadd.s32 $0xFFFFFEF7, lr;
	s5 =	simm.s32 $0xFFFFFFFF;
	p2 =	slt.u32 s8, $0xFFFFF086  }
0x1c: {  	p1 =	slt.u32 s9, $0xF7A;
	s5 =	simm.s32 @!p2 $0x0  }
0x1d: {  	s5 =	simm.s32 @p1 $0x1;
	p0 =	seq.s32 s7, s2  }
0x1e: {  	s7 =	smul.u32 @!p0 $0xF7A, s2;
	p2 =	seq.s32 @!p0 s5, $0x0  }
0x1f: {  	s9 =	smul.u32 $0xF7A, s1;
	s8 =	simm.s32 @!p0 $0x1BF5;
	p2 =	por !p2, p0  }
0x20: {  	[sflag:s8] =	ssyncset.s32 @!p0 $0xFFFFF086;
	s6 =	sadd.s32 @!p0 s3, s7;
	s7 =	simm.s32 @!p0 $0x108  }
0x21: {  	s3 =	sadd.s32 s3, s9;
	s6 =	sadd.s32 @!p0 $0x88, s6;
	s7 =	simm.s32 @p2 $0x1082  }
0x22: {  	[simem:s7], [sflag:s8] =	dma.local @!p0 [hbm:s6], $0xF7A  }
0x23: {  	s9 =	sor.u32 $0xD0000000, s2;
	s6 =	simm.s32 $0x108;
	_ =	swait.ge @!p0 [sflag:s8], $0x0  }
0x24: {  	s3 =	sadd.s32 $0x88, s3;
	s6 =	simm.s32 @!p1 $0x1082;
	[sflag:s4] =	ssyncset.s32 $0xFFFFF086  }
0x25: {  	[simem:s6], [sflag:s4] =	dma.local [hbm:s3], $0xF7A  }
0x26: {  	[smem:$0x3F91] =	sst s1;
	(tag) =	ssettag s2;
	_ =	strace s9  }
0x27: {  	s1 =	sld [smem:$0x3FA1]  }
0x28: {  	s2 =	sld [smem:$0x3FA2]  }
0x29: {  	s4 =	sld [smem:$0x3FA4]  }
0x2a: {  	p0 =	seq.s32 s5, $0x0;
	s5 =	sld [smem:$0x3FA5]  }
0x2b: {  	s6 =	sld [smem:$0x3FA6]  }
0x2c: {  	s7 =	sld [smem:$0x3FA7]  }
0x2d: {  	s3 =	simm.s32 $0x108;
	s8 =	sld [smem:$0x3FA8]  }
0x2e: {  	s3 =	simm.s32 @!p0 $0x1082;
	s9 =	sld [smem:$0x3FA9]  }
0x2f: {  	lr =	sadd.s32 s0, s3;
	s0 =	sld [smem:$0x3FA0]  }
0x30: {  	s3 =	sld [smem:$0x3FA3]  }
0x31: {  	[smem:$0x3FAC] =	sst s10  }
0x32: {  	s10 =	sld [smem:$0x3FAA];
	_ =	sdelay $0x3  }
0x33: {  	p0 =	seq.s32 s10, $0x1;
	s10 =	sld [smem:$0x3FAC];
	_ =	sdelay $0x3  }
0x34: {  	[smem:$0x3FAC] =	sst s10  }
0x35: {  	s10 =	sld [smem:$0x3FAB];
	_ =	sdelay $0x3  }
0x36: {  	p1 =	seq.s32 s10, $0x1;
	s10 =	sld [smem:$0x3FAC];
	_ =	sdelay $0x3  }
0x37: {  	[smem:$0x3FAC] =	sst s10  }
0x38: {  	s10 =	sld [smem:$0x3FAD]  }
0x39: {  	_ = 	snop;
	(pc) =	sbr.ind lr, $3  }
0x3a: {  	_ = 	snop  }
0x3b: {  	_ = 	snop  }
0x3c: {  	p2 =	seq.s32 s10, $0x1;
	s10 =	sld [smem:$0x3FAC]  }
0x3d: {  	_ =	shalt  }
0x3e: {  	_ =	shalt  }
0x3f: {  	_ =	shalt  }
0x40: {  	_ =	shalt  }
0x41: {  	_ =	shalt  }
0x42: {  	_ =	shalt  }
0x43: {  	_ =	shalt  }
0x44: {  	_ =	shalt  }
0x45: {  	_ =	shalt  }
0x46: {  	_ =	shalt  }
0x47: {  	_ =	shalt  }
0x48: {  	_ =	shalt  }
0x49: {  	_ =	shalt  }
0x4a: {  	_ =	shalt  }
0x4b: {  	_ =	shalt  }
0x4c: {  	_ =	shalt  }
0x4d: {  	_ =	shalt  }
0x4e: {  	_ =	shalt  }
0x4f: {  	_ =	shalt  }
0x50: {  	_ =	shalt  }
0x51: {  	_ =	shalt  }
0x52: {  	_ =	shalt  }
0x53: {  	_ =	shalt  }
0x54: {  	_ =	shalt  }
0x55: {  	_ =	shalt  }
0x56: {  	_ =	shalt  }
0x57: {  	_ =	shalt  }
0x58: {  	_ =	shalt  }
0x59: {  	_ =	shalt  }
0x5a: {  	_ =	shalt  }
0x5b: {  	_ =	shalt  }
0x5c: {  	_ =	shalt  }
0x5d: {  	_ =	shalt  }
0x5e: {  	_ =	shalt  }
0x5f: {  	_ =	shalt  }
0x60: {  	_ =	shalt  }
0x61: {  	_ =	shalt  }
0x62: {  	_ =	shalt  }
0x63: {  	_ =	shalt  }
0x64: {  	_ =	shalt  }
0x65: {  	_ =	shalt  }
0x66: {  	_ =	shalt  }
0x67: {  	_ =	shalt  }
0x68: {  	_ =	shalt  }
0x69: {  	_ =	shalt  }
0x6a: {  	_ =	shalt  }
0x6b: {  	_ =	shalt  }
0x6c: {  	_ =	shalt  }
0x6d: {  	_ =	shalt  }
0x6e: {  	_ =	shalt  }
0x6f: {  	_ =	shalt  }
0x70: {  	_ =	shalt  }
0x71: {  	_ =	shalt  }
0x72: {  	_ =	shalt  }
0x73: {  	_ =	shalt  }
0x74: {  	_ =	shalt  }
0x75: {  	_ =	shalt  }
0x76: {  	_ =	shalt  }
0x77: {  	_ =	shalt  }
0x78: {  	_ =	shalt  }
0x79: {  	_ =	shalt  }
0x7a: {  	_ =	shalt  }
0x7b: {  	_ =	shalt  }
0x7c: {  	_ =	shalt  }
0x7d: {  	_ =	shalt  }
0x7e: {  	_ =	shalt  }
0x7f: {  	_ =	shalt  }
0x80: {  	_ =	shalt  }
0x81: {  	_ =	shalt  }
0x82: {  	_ =	shalt  }
0x83: {  	_ =	shalt  }
0x84: {  	_ =	shalt  }
0x85: {  	_ =	shalt  }
0x86: {  	_ =	shalt  }
0x87: {  	_ =	shalt  }
.Lfunc_end0:
.L_simem_size_0:
called_computation.3_lowered:
.L_overlay_start_0:
0x88: {  	s2 =	sld [smem:$0x3FD9]  }
0x89: {  	s3 =	sld [smem:$0x3FFE];
	_ =	sdelay $0x1  }
0x8a: {  	s1 =	srdreg.scid  }
0x8b: {  	s0 =	sand.u32 $0x1, s1  }
0x8c: {  	s16 =	sshll.u32 s0, $0xA;
	s2 =	sadd.s32 s3, s2  }
0x8d: {  	s2 =	sadd.s32 s2, s16  }
0x8e: {  	[smem:$0x3FB8] =	sst s2  }
0x8f: {  	_ = 	snop  }
0x90: {  	(tm) =	ssettm $0x1  }
0x91: {  	s17 =	sld [smem:$0x3FFB];
	_ =	sdelay $0x3  }
0x92: {  	_ =	strace s17  }
0x93: {  	s2 =	sld [smem:$0x3FFC];
	_ =	sdelay $0x3  }
0x94: {  	_ =	strace s2  }
0x95: {  	s2 =	sld [smem:$0x3FFD];
	_ =	sdelay $0x3  }
0x96: {  	_ =	strace s2  }
0x97: {  	_ =	strace $0x8FFFFFFF  }
0x98: {  	s18 =	sld [smem:$0x3FDB];
	_ =	sdelay $0x1  }
0x99: {  	s19 =	simm.s32 $_scs_section_size  }
0x9a: {  	s4 =	simm.s32 $_size__tile_overlayer_lowered;
	s5 =	simm.s32 $_tile_overlayer_lowered  }
0x9b: {  	s22 =	simm.s32 $0x1BFF;
	s21 =	sshll.u32 s5, $0x1;
	s2 =	sadd.s32 s19, s18  }
0x9c: {  	s6 =	simm.s32 $0x0;
	s20 =	sshll.u32 s4, $0x1;
	s4 =	sadd.s32 s21, s2  }
0x9d: {  	[timem:s6], [sflag:s22] =	dma.local [hbm:s4], s20  }
0x9e: {  	_ =	swait.ge [sflag:s22], s20  }
0x9f: {  	s3 =	ssub.s32 $0x0, s20;
	[sflag:s22] =	ssyncset.done $0x0  }
0xa0: {  	[sflag:s22] =	ssyncadd.s32 s3;
	_ =	sdelay $0x1  }
0xa1: {  	s23 =	simm.s32 $0x1B8B  }
0xa2: {  	_ =	swait.ge [sflag:s23], $0x1  }
0xa3: {  	[sflag:s23] =	ssyncset.done $0x0  }
0xa4: {  	s25 =	simm.s32 $0x1B8E;
	s24 =	sld [smem:$0x3FFE];
	[sflag:s23] =	ssyncadd.s32 $0xFFFFFFFF  }
0xa5: {  	s26 =	simm.s32 $execute0_lowered;
	[smem:$0x3FD2] =	sst s25  }
0xa6: {  	s4 =	sshll.u32 s26, $0x1;
	_ =	strace $0x8000004F;
	[dreg:$0x1] =	wrdreg $0xFFFFFFFF  }
0xa7: {  	s28 =	simm.s32 $_size_execute0_lowered;
	s2 =	sadd.s32 s2, s4;
	[dreg:$0x0] =	wrdreg $0x0  }
0xa8: {  	s4 =	sshll.u32 s28, $0x1;
	[dreg:$0x2] =	wrdreg s2  }
0xa9: {  	[dreg:$0x3] =	wrdreg s4  }
0xaa: {  	[dreg:$0x4] =	wrdreg $0xC0  }
0xab: {  	_ =	task [dreg:s6], $0x5FFFF  }
0xac: {  	[dreg:$0x1] =	wrdreg $0xFFFFFFFF  }
0xad: {  	[dreg:$0x0] =	wrdreg $0x60  }
0xae: {  	[dreg:$0x2] =	wrdreg s24  }
0xaf: {  	[dreg:$0x3] =	wrdreg $0x0  }
0xb0: {  	[dreg:$0x4] =	wrdreg $0x9  }
0xb1: {  	_ =	task.clear_ibuf [dreg:s6], $0x5FFFF;
	_ =	strace $0x9000004F  }
0xb2: {  	s29 =	simm.s32 $0x9;
	_ =	strace $0x80000051  }
0xb3: {  	_ =	swait.ge [sflag:s29], $0x1  }
0xb4: {  	[sflag:s29] =	ssyncadd.s32 $0xFFFFFFFF  }
0xb5: {  	_ =	strace $0x90000051  }
0xb6: {  	_ =	sfence  }
0xb7: {  	s30 =	sld [smem:$0x0];
	_ =	sdelay $0x2  }
0xb8: {  	s31 =	sshll.u32 s1, $0xD;
	s1 =	sshrl.u32 s1, $0x2  }
0xb9: {  	s3 =	sand.u32 $0x4000, s31;
	s1 =	sadd.s32 s1, s30  }
0xba: {  	s0 =	sor.u32 s3, s0;
	s1 =	sshll.u32 s1, $0x11  }
0xbb: {  	s0 =	sor.u32 s1, s0  }
0xbc: {  	s0 =	sadd.s32 $0x8F2B, s0  }
0xbd: {  	[sflag:s0] =	ssyncadd.remote.s32 $0x1  }
0xbe: {  	_ =	sfence.sel $0xFFFF  }
0xbf: {  	[dreg:$0x0] =	wrdreg $0xFFFFFFFF;
	(pc) =	sbr.abs _section_cstart, $3  }
0xc0: {  	[dreg:$0x1] =	wrdreg $0xFFFFFFFF  }
0xc1: {  	_ =	task.clear_ibuf [dreg:s6], $0x2FFFF;
	_ =	strace $0x9FFFFFFF  }
0xc2: {  	(tm) =	ssettm $0x7FFFFFFF  }
0xc3: {  	_ =	shalt  }
tec
execute0_lowered:
.L_overlay_start_1:
0x0: {  	(tag) =	ssettag $0x1  }
0x1: {  	s0 =	stileid.u32;
	s1 =	srdreg.scid  }
0x2: {  	s5 =	rddreg [dreg:$0x0];
	s4 =	smul.u32 $0x4E200, s0  }
0x3: {  	s2 =	rddreg [dreg:$0x1];
	s3 =	simm.s32 $0x0;
	s7 =	smul.u32 $0x4E20, s0  }
0x4: {  	s14 =	simm.s32 $0xC8;
	s6 =	sand.u32 $0x1, s1;
	s9 =	smul.u32 $0x14000, s0  }
0x5: {  	s15 =	simm.s32 $0x0;
	s1 =	rddreg [dreg:$0x2];
	s8 =	smul.u32 $0x2710, s6  }
0x6: {  	[smem:$0x7FF] =	sst s3;
	s30 =	sshll.u32 s0, $0x6;
	s25 =	smul.u32 $0x140000, s6  }
0x7: {  	_ =	strace $0x80000050;
	s28 =	ssub.s32 $0x2, s6;
	s12 =	smul.u32 $0x27100, s6  }
0x8: {  	s10 =	sadd.s32 s4, s5;
	s4 =	sadd.s32 $0x18E00, s5;
	s29 =	sshrl.u32 s28, $0x1  }
0x9: {  	s13 =	sadd.s32 s9, s2;
	s7 =	sadd.s32 s8, s7;
	s26 =	sadd.s32 s9, s25  }
0xa: {  	s8 =	ssub.s32 s28, s29;
	s31 =	sadd.s32 s12, s10;
	s7 =	sshrl.u32 s7, $0x3  }
0xb: {  	s10 =	sshrl.u32 s13, $0x3;
	s11 =	sadd.s32 s7, s5;
	s7 =	sshrl.u32 s26, $0x3  }
0xc: {  	s12 =	simm.s32 $0x14000;
	s13 =	simm.s32 $0x140C8;
	s7 =	sadd.s32 s7, s5  }
0xd: {  	s5 =	sor.u32 $0x1C01, s30;
	s9 =	sadd.s32 $0x293E00, s11;
	s11 =	simm.s32 $0x1  }
0xe: {  	s6 =	sadd.s32 $0x1B600, s7;
	s7 =	smax.u32 s8, $0x1;
	s8 =	sadd.s32 $0xD9A400, s31  }
.LBB2_1:
0xf: {  	[spmem:s10], [sflag:s5] =	dma.local [hbm:s4], $0x2800  }
0x10: {  	_ =	swait.ge [sflag:s11], $0x2800  }
0x11: {  	[sflag:s11] =	ssyncset.done $0x0  }
0x12: {  	[sflag:s11] =	ssyncadd.s32 $0xFFFFD800  }
0x13: {  	s16 =	sadd.s32 $0x0, s9;
	[bflag:$0x0] =	sbarrier.arrive $0xFFFF  }
0x14: {  	[tilespmem:s12], [sflag:$0x1] =	stream.linear.gather [hbm4b:s16+s3], $0xC8, $0x38;
	[tilespmem:$0x1A4C8] =	vst v63  }
0x15: {  	_ =	swait.ge [sflag:s11], $0xC8  }
0x16: {  	[sflag:s11] =	ssyncset.done $0x0  }
0x17: {  	[sflag:s11] =	ssyncadd.s32 $0xFFFFFF38  }
0x18: {  	[tilespmem:s13], [sflag:$0x1] =	stream.linear.gather [hbm4b:s8+s3], $0x6400, $0x38;
	[tilespmem:$0x1A4C8] =	vst v63  }
0x19: {  	_ =	swait.ge [sflag:s11], $0x6400  }
0x1a: {  	[sflag:s11] =	ssyncset.done $0x0  }
0x1b: {  	[sflag:s11] =	ssyncadd.s32 $0xFFFF9C00  }
0x1c: {  	[spmem:s2] =	stream.indirect.scatter.add.f32 [tilespmem:s13], [sflag:$0x1], $0x80, s12, s14, $0xb8;
	[tilespmem:$0x1A4C8] =	vst v63  }
0x1d: {  	s17 =	simm.s32 $0x19;
	_ =	swait.ge [sflag:s11], $0x6400  }
0x1e: {  	s18 =	simm.s32 $0x32;
	s16 =	sadd.s32 $0xC80, s8;
	[sflag:s11] =	ssyncset.done $0x0  }
.LBB2_2:
0x1f: {  	s19 =	sadd.s32 s17, s9  }
0x20: {  	[sflag:s11] =	ssyncadd.s32 $0xFFFF9C00;
	s17 =	smov.u32 s18;
	s20 =	sadd.s32 $0x19, s18  }
0x21: {  	[tilespmem:s12], [sflag:$0x1] =	stream.linear.gather [hbm4b:s19+s3], $0xC8, $0x38;
	[tilespmem:$0x1A4C8] =	vst v63  }
0x22: {  	p0 =	sne.s32 s18, $0x4C9;
	_ =	swait.ge [sflag:s11], $0xC8  }
0x23: {  	[sflag:s11] =	ssyncset.done $0x0  }
0x24: {  	[sflag:s11] =	ssyncadd.s32 $0xFFFFFF38  }
0x25: {  	[tilespmem:s13], [sflag:$0x1] =	stream.linear.gather [hbm4b:s16+s3], $0x6400, $0x38;
	[tilespmem:$0x1A4C8] =	vst v63  }
0x26: {  	_ =	swait.ge [sflag:s11], $0x6400  }
.Ltmp0:
0x27: {  	[sflag:s11] =	ssyncset.done $0x0;
	(pc) =	sbr.rel @p0 .LBB2_2-.Ltmp0, $4  }
0x28: {  	[sflag:s11] =	ssyncadd.s32 $0xFFFF9C00  }
0x29: {  	[spmem:s2] =	stream.indirect.scatter.add.f32 [tilespmem:s13], [sflag:$0x1], $0x80, s12, s14, $0xb8;
	[tilespmem:$0x1A4C8] =	vst v63  }
0x2a: {  	_ =	swait.ge [sflag:s11], $0x6400  }
0x2b: {  	s18 =	smov.u32 s20;
	s16 =	sadd.s32 $0xC80, s16;
	[sflag:s11] =	ssyncset.done $0x0  }
0x2c: {  	s17 =	sadd.s32 s17, s9;
	[sflag:s11] =	ssyncadd.s32 $0xFFFF9C00  }
0x2d: {  	[tilespmem:s12], [sflag:$0x1] =	stream.linear.gather [hbm4b:s17+s3], $0xC8, $0x38;
	[tilespmem:$0x1A4C8] =	vst v63  }
0x2e: {  	_ =	swait.ge [sflag:s11], $0xC8  }
0x2f: {  	[sflag:s11] =	ssyncset.done $0x0  }
0x30: {  	[sflag:s11] =	ssyncadd.s32 $0xFFFFFF38  }
0x31: {  	[tilespmem:s13], [sflag:$0x1] =	stream.linear.gather [hbm4b:s16+s3], $0x6400, $0x38;
	[tilespmem:$0x1A4C8] =	vst v63  }
0x32: {  	_ =	swait.ge [sflag:s11], $0x6400  }
0x33: {  	[sflag:s11] =	ssyncset.done $0x0  }
0x34: {  	[sflag:s11] =	ssyncadd.s32 $0xFFFF9C00  }
0x35: {  	[spmem:s2] =	stream.indirect.scatter.add.f32 [tilespmem:s13], [sflag:$0x1], $0x80, s12, s14, $0xb8;
	[tilespmem:$0x1A4C8] =	vst v63  }
0x36: {  	_ =	swait.ge [sflag:s11], $0x6400  }
0x37: {  	s15 =	sadd.s32 $0x1, s15;
	[sflag:s11] =	ssyncset.done $0x0  }
0x38: {  	p0 =	sne.s32 s15, s7;
	[sflag:s11] =	ssyncadd.s32 $0xFFFF9C00  }
.Ltmp1:
0x39: {  	[bflag:$0x0] =	sbarrier.arrive $0xFFFF;
	(pc) =	sbr.rel @p0 .LBB2_1-.Ltmp1, $4  }
0x3a: {  	[hbm:s6], [sflag:s5] =	dma.local [spmem:s10], $0x2800  }
0x3b: {  	_ =	swait.ge [sflag:s11], $0x2800  }
0x3c: {  	[sflag:s11] =	ssyncset.done $0x0  }
0x3d: {  	[sflag:s11] =	ssyncadd.s32 $0xFFFFD800  }
0x3e: {  	_ =	sfence.sel $0x180000  }
0x3f: {  	[bflag:$0x0] =	sbarrier.arrive $0xFFFF  }
0x40: {  	p0 =	sne.s32 s0, $0x0;
	_ =	strace $0x90000050  }
0x41: {  	s0 =	sadd.s32 @!p0 $0x100000, s1;
	[bflag:$0x2] =	sbarrier.arrive $0xFFFF  }
0x42: {  	[sflag:s0] =	ssyncadd.tile.s32 @!p0 $0x1;
	_ =	shalt  }
.Lfunc_end2:
_tile_overlayer_lowered:
.L_overlay_start_2:
0x43: {  	(tag) =	ssettag $0x2  }
0x44: {  	s0 =	rddreg [dreg:$0x0];
	s2 =	stileid.u32  }
0x45: {  	s1 =	rddreg [dreg:$0x1];
	p0 =	sne.s32 s2, $0x0  }
0x46: {  	s3 =	rddreg [dreg:$0x2];
	[bflag:$0x3] =	sbarrier.arrive $0xFFFF;
	s2 =	simm.s32 @!p0 $0x1C01  }
0x47: {  	[timem:s3], [sflag:s2] =	dma.local @!p0 [hbm:s0], s1  }
0x48: {  	s0 =	simm.s32 @!p0 $0x1  }
0x49: {  	_ =	swait.ge @!p0 [sflag:s0], s1  }
0x4a: {  	s1 =	ssub.s32 @!p0 $0x0, s1;
	[sflag:s0] =	ssyncset.done @!p0 $0x0  }
0x4b: {  	[sflag:s0] =	ssyncadd.s32 @!p0 s1  }
0x4c: {  	[bflag:$0x3] =	sbarrier.arrive $0xFFFF  }
0x4d: {  	_ =	shalt  }

</sc_bundles>
